<compile_context>
chip_gen: v7x
topology: tpu7x:2x2x1
jax: 0.10.2.dev20260603
libtpu: 0.0.44.dev20260713+nightly
codegen_flags: <defaults>
</compile_context>

<pallas_src>
import functools

import jax
import jax.numpy as jnp
from jax import lax
from jax.experimental import pallas as pl
from jax.experimental.pallas import tpu as pltpu
from jax.experimental.pallas import tpu_sc as plsc

_B = 4096
_N = 100000
_DIM = 64
_VOLUME_TEMP = 1.0
_INTERSECTION_TEMP = 0.01
_SOFTPLUS_CONST = 2 * _INTERSECTION_TEMP * 0.5772156649015329

_info = plsc.get_sparse_core_info()
_NC, _NS, _NL = _info.num_cores, _info.num_subcores, _info.num_lanes
_NW = _NC * _NS
_BPW = _B // _NW


_sc_mesh = plsc.VectorSubcoreMesh(core_axis_name="c", subcore_axis_name="s")


@functools.partial(
    pl.kernel,
    mesh=_sc_mesh,
    out_type=[jax.ShapeDtypeStruct((_B, 2 * _DIM), jnp.float32)] * 4,
    scratch_types=[
        pltpu.VMEM((_BPW,), jnp.int32),
        pltpu.VMEM((_BPW,), jnp.int32),
        pltpu.VMEM((_BPW, 2 * _DIM), jnp.float32),
        pltpu.VMEM((_BPW, 2 * _DIM), jnp.float32),
        pltpu.VMEM((_BPW, 2 * _DIM), jnp.float32),
        pltpu.VMEM((_BPW, 2 * _DIM), jnp.float32),
        pltpu.SemaphoreType.DMA,
    ],
)
def _sc_gather(t1_hbm, t2_hbm, i1_hbm, i2_hbm,
               o11, o12, o21, o22,
               idx1_v, idx2_v, r11_v, r12_v, r21_v, r22_v, sem):
    wid = lax.axis_index("s") * _NC + lax.axis_index("c")
    base = wid * _BPW
    pltpu.sync_copy(i1_hbm.at[pl.ds(base, _BPW)], idx1_v)
    pltpu.sync_copy(i2_hbm.at[pl.ds(base, _BPW)], idx2_v)
    for g in range(_BPW // _NL):
        sl = pl.ds(g * _NL, _NL)
        idx1_v[sl] = jax.lax.shift_right_logical(idx1_v[sl], 1)
        idx2_v[sl] = jax.lax.shift_right_logical(idx2_v[sl], 1)
    d1 = pltpu.async_copy(t1_hbm.at[idx1_v], r11_v, sem)
    d2 = pltpu.async_copy(t2_hbm.at[idx1_v], r12_v, sem)
    d3 = pltpu.async_copy(t1_hbm.at[idx2_v], r21_v, sem)
    d4 = pltpu.async_copy(t2_hbm.at[idx2_v], r22_v, sem)
    d1.wait()
    d2.wait()
    d3.wait()
    d4.wait()
    pltpu.sync_copy(r11_v, o11.at[pl.ds(base, _BPW)])
    pltpu.sync_copy(r12_v, o12.at[pl.ds(base, _BPW)])
    pltpu.sync_copy(r21_v, o21.at[pl.ds(base, _BPW)])
    pltpu.sync_copy(r22_v, o22.at[pl.ds(base, _BPW)])


def _softplus(x):
    return jnp.logaddexp(x, 0.0)


def _half(ref, parity):
    x = ref[...]
    return jnp.where(parity, x[:, _DIM:], x[:, :_DIM])


def _box_math_body(i1_ref, i2_ref, c1_ref, e1_ref, c2_ref, e2_ref, out_ref):
    p1 = (i1_ref[...] & 1)[:, None] == 1
    p2 = (i2_ref[...] & 1)[:, None] == 1
    c1 = _half(c1_ref, p1)
    w1 = _softplus(_half(e1_ref, p1)) * 0.5
    c2 = _half(c2_ref, p2)
    w2 = _softplus(_half(e2_ref, p2)) * 0.5
    min1 = c1 - w1
    max1 = c1 + w1
    min2 = c2 - w2
    max2 = c2 + w2
    t = _INTERSECTION_TEMP
    meet_min = t * jnp.logaddexp(min1 / t, min2 / t)
    meet_max = -t * jnp.logaddexp(-max1 / t, -max2 / t)
    meet_min = jnp.maximum(meet_min, jnp.maximum(min1, min2))
    meet_max = jnp.minimum(meet_max, jnp.minimum(max1, max2))
    log_overlap = jnp.sum(
        jnp.log(_VOLUME_TEMP * _softplus(
            (meet_max - meet_min - _SOFTPLUS_CONST) / _VOLUME_TEMP) + 1e-20),
        axis=-1)
    log_rhs = jnp.sum(
        jnp.log(_VOLUME_TEMP * _softplus(
            (max2 - min2 - _SOFTPLUS_CONST) / _VOLUME_TEMP) + 1e-20),
        axis=-1)
    out_ref[...] = log_overlap - log_rhs


_TC_BLOCK = 512


def _tc_math(i1, i2, r11, r12, r21, r22):
    grid = _B // _TC_BLOCK
    in_spec = pl.BlockSpec((_TC_BLOCK, 2 * _DIM), lambda i: (i, 0))
    idx_spec = pl.BlockSpec((_TC_BLOCK,), lambda i: (i,))
    return pl.pallas_call(
        _box_math_body,
        grid=(grid,),
        in_specs=[idx_spec, idx_spec] + [in_spec] * 4,
        out_specs=pl.BlockSpec((_TC_BLOCK,), lambda i: (i,)),
        out_shape=jax.ShapeDtypeStruct((_B,), jnp.float32),
    )(i1, i2, r11, r12, r21, r22)


def kernel(idx1, idx2, emb1, emb2, embs1_weight, embs2_weight):
    del emb1, emb2
    i1 = idx1.astype(jnp.int32)
    i2 = idx2.astype(jnp.int32)
    t1p = jnp.reshape(embs1_weight, (_N // 2, 2 * _DIM))
    t2p = jnp.reshape(embs2_weight, (_N // 2, 2 * _DIM))
    r11, r12, r21, r22 = _sc_gather(t1p, t2p, i1, i2)
    return _tc_math(i1, i2, r11, r12, r21, r22)

# --- scband reference (transcript-rebuilt; emitter-appended) ---
"""Pipeline reference for scband-box-63015760167130 (READ-ONLY COPY).

The authoritative reference and input builder live on the scoring server;
editing this copy changes nothing except your own understanding.
"""

import jax, jax.numpy as jnp
import numpy as np
from jax.scipy.special import logsumexp

B = 4096
N = 100000
DIM = 64
VOLUME_TEMP = 1.0
INTERSECTION_TEMP = 0.01
SOFTPLUS_CONST = 2 * INTERSECTION_TEMP * 0.5772156649015329

def softplus(x):
    return jnp.logaddexp(x, 0.0)

def log_volume(z, Z):
    return jnp.sum(jnp.log(VOLUME_TEMP * softplus((Z - z - SOFTPLUS_CONST) / VOLUME_TEMP) + 1e-20), axis=-1)

def gumbel_intersection(e1_min, e1_max, e2_min, e2_max):
    meet_min = INTERSECTION_TEMP * logsumexp(jnp.stack([e1_min / INTERSECTION_TEMP, e2_min / INTERSECTION_TEMP]), axis=0)
    meet_max = -INTERSECTION_TEMP * logsumexp(jnp.stack([-e1_max / INTERSECTION_TEMP, -e2_max / INTERSECTION_TEMP]), axis=0)
    meet_min = jnp.maximum(meet_min, jnp.maximum(e1_min, e2_min))
    meet_max = jnp.minimum(meet_max, jnp.minimum(e1_max, e2_max))
    return meet_min, meet_max

def setup_inputs(seed: int = 0) -> dict:
    key = jax.random.key(seed)
    k1, k2, k3, k4, k5, k6 = jax.random.split(key, 6)
    return {
        "idx1": jax.random.randint(k1, (B,), 0, N, dtype=jnp.int64) if jax.config.jax_enable_x64 else jax.random.randint(k1, (B,), 0, N, dtype=jnp.int32),
        "idx2": jax.random.randint(k2, (B,), 0, N, dtype=jnp.int32),
        "emb1": jax.random.normal(k3, (B, DIM), dtype=jnp.float32),
        "emb2": jax.random.normal(k4, (B, DIM), dtype=jnp.float32),
        "embs1_weight": jax.random.normal(k5, (N, DIM), dtype=jnp.float32),
        "embs2_weight": jax.random.normal(k6, (N, DIM), dtype=jnp.float32),
    }

def reference(idx1, idx2, emb1, emb2, embs1_weight, embs2_weight):
    c1 = jnp.take(embs1_weight, idx1, axis=0)
    w1 = softplus(jnp.take(embs2_weight, idx1, axis=0)) / 2
    min1 = c1 - w1
    max1 = c1 + w1
    c2 = jnp.take(embs1_weight, idx2, axis=0)
    w2 = softplus(jnp.take(embs2_weight, idx2, axis=0)) / 2
    min2 = c2 - w2
    max2 = c2 + w2
    meet_min, meet_max = gumbel_intersection(min1, max1, min2, max2)
    log_overlap_volume = log_volume(meet_min, meet_max)
    log_rhs_volume = log_volume(min2, max2)
    logp = log_overlap_volume - log_rhs_volume
    return logp

if __name__ == "__main__":
    import jax
    _d = setup_inputs()
    print(jax.jit(kernel)(*tuple(_d.values())))

</pallas_src>

<mosaic_0001>
#map = affine_map<(d0, d1) -> (0, 0)>
#map1 = affine_map<(d0, d1) -> (0)>
module attributes {stable_mosaic.version = 14 : i64} {
  func.func @_sc_gather(%arg0: i32, %arg1: i32, %arg2: memref<50000x128xf32, #tpu.memory_space<hbm>>, %arg3: memref<50000x128xf32, #tpu.memory_space<hbm>>, %arg4: memref<4096xi32, #tpu.memory_space<hbm>>, %arg5: memref<4096xi32, #tpu.memory_space<hbm>>, %arg6: memref<4096x128xf32, #tpu.memory_space<hbm>>, %arg7: memref<4096x128xf32, #tpu.memory_space<hbm>>, %arg8: memref<4096x128xf32, #tpu.memory_space<hbm>>, %arg9: memref<4096x128xf32, #tpu.memory_space<hbm>>, %arg10: memref<128xi32, #tpu.memory_space<vmem>>, %arg11: memref<128xi32, #tpu.memory_space<vmem>>, %arg12: memref<128x128xf32, #tpu.memory_space<vmem>>, %arg13: memref<128x128xf32, #tpu.memory_space<vmem>>, %arg14: memref<128x128xf32, #tpu.memory_space<vmem>>, %arg15: memref<128x128xf32, #tpu.memory_space<vmem>>, %arg16: memref<!tpu.dma_semaphore, #tpu.memory_space<semaphore_mem>>) attributes {dimension_semantics = [#tpu.dimension_semantics<core_parallel>, #tpu.dimension_semantics<subcore_parallel>], iteration_bounds = array<i64: 2, 16>, scalar_prefetch = 0 : i64, scratch_operands = 7 : i64, tpu.core_type = #tpu.core_type<sc_vector_subcore>, window_params = [{transform_indices = #map}, {transform_indices = #map}, {transform_indices = #map1}, {transform_indices = #map1}, {transform_indices = #map}, {transform_indices = #map}, {transform_indices = #map}, {transform_indices = #map}]} {
    %mul3A = arith.constant 2 : i32
    %mul3A_0 = arith.muli %arg1, %mul3A : i32
    %add3A = arith.addi %mul3A_0, %arg0 : i32
    %mul3A_1 = arith.constant 128 : i32
    %mul3A_2 = arith.muli %add3A, %mul3A_1 : i32
    "tpu.region"() ({
      %run_scoped3A = tpu.sem_alloc : memref<!tpu.dma_semaphore, #tpu.memory_space<semaphore_mem>>
      %dma_start3A_182 = tpu.memref_slice %arg4[%mul3A_2] : memref<4096xi32, #tpu.memory_space<hbm>> -> memref<128xi32, #tpu.memory_space<hbm>>
      %dma_start3A_183 = tpu.memref_slice %arg4[%mul3A_2] : memref<4096xi32, #tpu.memory_space<hbm>> -> memref<128xi32, #tpu.memory_space<hbm>>
      tpu.enqueue_dma source(%dma_start3A_183 : memref<128xi32, #tpu.memory_space<hbm>>) target(%arg10 : memref<128xi32, #tpu.memory_space<vmem>>) target_semaphore(%run_scoped3A : memref<!tpu.dma_semaphore, #tpu.memory_space<semaphore_mem>>)
      %dma_wait3A_184 = tpu.memref_slice %arg4[%mul3A_2] : memref<4096xi32, #tpu.memory_space<hbm>> -> memref<128xi32, #tpu.memory_space<hbm>>
      %dma_wait3A_185 = tpu.memref_slice %arg4[%mul3A_2] : memref<4096xi32, #tpu.memory_space<hbm>> -> memref<128xi32, #tpu.memory_space<hbm>>
      tpu.wait_dma2 semaphore(%run_scoped3A : memref<!tpu.dma_semaphore, #tpu.memory_space<semaphore_mem>>) src(%dma_wait3A_185 : memref<128xi32, #tpu.memory_space<hbm>>) dst(%arg10 : memref<128xi32, #tpu.memory_space<vmem>>)
      tpu.yield
    }) : () -> ()
    "tpu.region"() ({
      %run_scoped3A = tpu.sem_alloc : memref<!tpu.dma_semaphore, #tpu.memory_space<semaphore_mem>>
      %dma_start3A_182 = tpu.memref_slice %arg5[%mul3A_2] : memref<4096xi32, #tpu.memory_space<hbm>> -> memref<128xi32, #tpu.memory_space<hbm>>
      %dma_start3A_183 = tpu.memref_slice %arg5[%mul3A_2] : memref<4096xi32, #tpu.memory_space<hbm>> -> memref<128xi32, #tpu.memory_space<hbm>>
      tpu.enqueue_dma source(%dma_start3A_183 : memref<128xi32, #tpu.memory_space<hbm>>) target(%arg11 : memref<128xi32, #tpu.memory_space<vmem>>) target_semaphore(%run_scoped3A : memref<!tpu.dma_semaphore, #tpu.memory_space<semaphore_mem>>)
      %dma_wait3A_184 = tpu.memref_slice %arg5[%mul3A_2] : memref<4096xi32, #tpu.memory_space<hbm>> -> memref<128xi32, #tpu.memory_space<hbm>>
      %dma_wait3A_185 = tpu.memref_slice %arg5[%mul3A_2] : memref<4096xi32, #tpu.memory_space<hbm>> -> memref<128xi32, #tpu.memory_space<hbm>>
      tpu.wait_dma2 semaphore(%run_scoped3A : memref<!tpu.dma_semaphore, #tpu.memory_space<semaphore_mem>>) src(%dma_wait3A_185 : memref<128xi32, #tpu.memory_space<hbm>>) dst(%arg11 : memref<128xi32, #tpu.memory_space<vmem>>)
      tpu.yield
    }) : () -> ()
    %get3A = arith.constant 0 : index
    %get3A_3 = tpu.vector_load %arg10[%get3A] {strides = array<i32>} : memref<128xi32, #tpu.memory_space<vmem>>, vector<16xi32>,
    %get3A_4 = vector.shape_cast %get3A_3 : vector<16xi32> to vector<16xi32>
    %shift_right_logical3A = arith.constant 1 : i32
    %shift_right_logical3A_5 = vector.broadcast %shift_right_logical3A : i32 to vector<16xi32>
    %shift_right_logical3A_6 = arith.shrui %get3A_4, %shift_right_logical3A_5 : vector<16xi32>
    %swap3A = arith.constant 0 : index
    %swap3A_7 = tpu.vector_load %arg10[%swap3A] {strides = array<i32>} : memref<128xi32, #tpu.memory_space<vmem>>, vector<16xi32>,
    %swap3A_8 = vector.shape_cast %swap3A_7 : vector<16xi32> to vector<16xi32>
    %swap3A_9 = vector.shape_cast %shift_right_logical3A_6 : vector<16xi32> to vector<16xi32>
    tpu.vector_store %arg10[%swap3A], %swap3A_9 {strides = array<i32>} : memref<128xi32, #tpu.memory_space<vmem>>, vector<16xi32>,
    %get3A_10 = arith.constant 0 : index
    %get3A_11 = tpu.vector_load %arg11[%get3A_10] {strides = array<i32>} : memref<128xi32, #tpu.memory_space<vmem>>, vector<16xi32>,
    %get3A_12 = vector.shape_cast %get3A_11 : vector<16xi32> to vector<16xi32>
    %shift_right_logical3A_13 = arith.constant 1 : i32
    %shift_right_logical3A_14 = vector.broadcast %shift_right_logical3A_13 : i32 to vector<16xi32>
    %shift_right_logical3A_15 = arith.shrui %get3A_12, %shift_right_logical3A_14 : vector<16xi32>
    %swap3A_16 = arith.constant 0 : index
    %swap3A_17 = tpu.vector_load %arg11[%swap3A_16] {strides = array<i32>} : memref<128xi32, #tpu.memory_space<vmem>>, vector<16xi32>,
    %swap3A_18 = vector.shape_cast %swap3A_17 : vector<16xi32> to vector<16xi32>
    %swap3A_19 = vector.shape_cast %shift_right_logical3A_15 : vector<16xi32> to vector<16xi32>
    tpu.vector_store %arg11[%swap3A_16], %swap3A_19 {strides = array<i32>} : memref<128xi32, #tpu.memory_space<vmem>>, vector<16xi32>,
    %get3A_20 = arith.constant 16 : index
    %get3A_21 = tpu.vector_load %arg10[%get3A_20] {strides = array<i32>} : memref<128xi32, #tpu.memory_space<vmem>>, vector<16xi32>,
    %get3A_22 = vector.shape_cast %get3A_21 : vector<16xi32> to vector<16xi32>
    %shift_right_logical3A_23 = arith.constant 1 : i32
    %shift_right_logical3A_24 = vector.broadcast %shift_right_logical3A_23 : i32 to vector<16xi32>
    %shift_right_logical3A_25 = arith.shrui %get3A_22, %shift_right_logical3A_24 : vector<16xi32>
    %swap3A_26 = arith.constant 16 : index
    %swap3A_27 = tpu.vector_load %arg10[%swap3A_26] {strides = array<i32>} : memref<128xi32, #tpu.memory_space<vmem>>, vector<16xi32>,
    %swap3A_28 = vector.shape_cast %swap3A_27 : vector<16xi32> to vector<16xi32>
    %swap3A_29 = vector.shape_cast %shift_right_logical3A_25 : vector<16xi32> to vector<16xi32>
    tpu.vector_store %arg10[%swap3A_26], %swap3A_29 {strides = array<i32>} : memref<128xi32, #tpu.memory_space<vmem>>, vector<16xi32>,
    %get3A_30 = arith.constant 16 : index
    %get3A_31 = tpu.vector_load %arg11[%get3A_30] {strides = array<i32>} : memref<128xi32, #tpu.memory_space<vmem>>, vector<16xi32>,
    %get3A_32 = vector.shape_cast %get3A_31 : vector<16xi32> to vector<16xi32>
    %shift_right_logical3A_33 = arith.constant 1 : i32
    %shift_right_logical3A_34 = vector.broadcast %shift_right_logical3A_33 : i32 to vector<16xi32>
    %shift_right_logical3A_35 = arith.shrui %get3A_32, %shift_right_logical3A_34 : vector<16xi32>
    %swap3A_36 = arith.constant 16 : index
    %swap3A_37 = tpu.vector_load %arg11[%swap3A_36] {strides = array<i32>} : memref<128xi32, #tpu.memory_space<vmem>>, vector<16xi32>,
    %swap3A_38 = vector.shape_cast %swap3A_37 : vector<16xi32> to vector<16xi32>
    %swap3A_39 = vector.shape_cast %shift_right_logical3A_35 : vector<16xi32> to vector<16xi32>
    tpu.vector_store %arg11[%swap3A_36], %swap3A_39 {strides = array<i32>} : memref<128xi32, #tpu.memory_space<vmem>>, vector<16xi32>,
    %get3A_40 = arith.constant 32 : index
    %get3A_41 = tpu.vector_load %arg10[%get3A_40] {strides = array<i32>} : memref<128xi32, #tpu.memory_space<vmem>>, vector<16xi32>,
    %get3A_42 = vector.shape_cast %get3A_41 : vector<16xi32> to vector<16xi32>
    %shift_right_logical3A_43 = arith.constant 1 : i32
    %shift_right_logical3A_44 = vector.broadcast %shift_right_logical3A_43 : i32 to vector<16xi32>
    %shift_right_logical3A_45 = arith.shrui %get3A_42, %shift_right_logical3A_44 : vector<16xi32>
    %swap3A_46 = arith.constant 32 : index
    %swap3A_47 = tpu.vector_load %arg10[%swap3A_46] {strides = array<i32>} : memref<128xi32, #tpu.memory_space<vmem>>, vector<16xi32>,
    %swap3A_48 = vector.shape_cast %swap3A_47 : vector<16xi32> to vector<16xi32>
    %swap3A_49 = vector.shape_cast %shift_right_logical3A_45 : vector<16xi32> to vector<16xi32>
    tpu.vector_store %arg10[%swap3A_46], %swap3A_49 {strides = array<i32>} : memref<128xi32, #tpu.memory_space<vmem>>, vector<16xi32>,
    %get3A_50 = arith.constant 32 : index
    %get3A_51 = tpu.vector_load %arg11[%get3A_50] {strides = array<i32>} : memref<128xi32, #tpu.memory_space<vmem>>, vector<16xi32>,
    %get3A_52 = vector.shape_cast %get3A_51 : vector<16xi32> to vector<16xi32>
    %shift_right_logical3A_53 = arith.constant 1 : i32
    %shift_right_logical3A_54 = vector.broadcast %shift_right_logical3A_53 : i32 to vector<16xi32>
    %shift_right_logical3A_55 = arith.shrui %get3A_52, %shift_right_logical3A_54 : vector<16xi32>
    %swap3A_56 = arith.constant 32 : index
    %swap3A_57 = tpu.vector_load %arg11[%swap3A_56] {strides = array<i32>} : memref<128xi32, #tpu.memory_space<vmem>>, vector<16xi32>,
    %swap3A_58 = vector.shape_cast %swap3A_57 : vector<16xi32> to vector<16xi32>
    %swap3A_59 = vector.shape_cast %shift_right_logical3A_55 : vector<16xi32> to vector<16xi32>
    tpu.vector_store %arg11[%swap3A_56], %swap3A_59 {strides = array<i32>} : memref<128xi32, #tpu.memory_space<vmem>>, vector<16xi32>,
    %get3A_60 = arith.constant 48 : index
    %get3A_61 = tpu.vector_load %arg10[%get3A_60] {strides = array<i32>} : memref<128xi32, #tpu.memory_space<vmem>>, vector<16xi32>,
    %get3A_62 = vector.shape_cast %get3A_61 : vector<16xi32> to vector<16xi32>
    %shift_right_logical3A_63 = arith.constant 1 : i32
    %shift_right_logical3A_64 = vector.broadcast %shift_right_logical3A_63 : i32 to vector<16xi32>
    %shift_right_logical3A_65 = arith.shrui %get3A_62, %shift_right_logical3A_64 : vector<16xi32>
    %swap3A_66 = arith.constant 48 : index
    %swap3A_67 = tpu.vector_load %arg10[%swap3A_66] {strides = array<i32>} : memref<128xi32, #tpu.memory_space<vmem>>, vector<16xi32>,
    %swap3A_68 = vector.shape_cast %swap3A_67 : vector<16xi32> to vector<16xi32>
    %swap3A_69 = vector.shape_cast %shift_right_logical3A_65 : vector<16xi32> to vector<16xi32>
    tpu.vector_store %arg10[%swap3A_66], %swap3A_69 {strides = array<i32>} : memref<128xi32, #tpu.memory_space<vmem>>, vector<16xi32>,
    %get3A_70 = arith.constant 48 : index
    %get3A_71 = tpu.vector_load %arg11[%get3A_70] {strides = array<i32>} : memref<128xi32, #tpu.memory_space<vmem>>, vector<16xi32>,
    %get3A_72 = vector.shape_cast %get3A_71 : vector<16xi32> to vector<16xi32>
    %shift_right_logical3A_73 = arith.constant 1 : i32
    %shift_right_logical3A_74 = vector.broadcast %shift_right_logical3A_73 : i32 to vector<16xi32>
    %shift_right_logical3A_75 = arith.shrui %get3A_72, %shift_right_logical3A_74 : vector<16xi32>
    %swap3A_76 = arith.constant 48 : index
    %swap3A_77 = tpu.vector_load %arg11[%swap3A_76] {strides = array<i32>} : memref<128xi32, #tpu.memory_space<vmem>>, vector<16xi32>,
    %swap3A_78 = vector.shape_cast %swap3A_77 : vector<16xi32> to vector<16xi32>
    %swap3A_79 = vector.shape_cast %shift_right_logical3A_75 : vector<16xi32> to vector<16xi32>
    tpu.vector_store %arg11[%swap3A_76], %swap3A_79 {strides = array<i32>} : memref<128xi32, #tpu.memory_space<vmem>>, vector<16xi32>,
    %get3A_80 = arith.constant 64 : index
    %get3A_81 = tpu.vector_load %arg10[%get3A_80] {strides = array<i32>} : memref<128xi32, #tpu.memory_space<vmem>>, vector<16xi32>,
    %get3A_82 = vector.shape_cast %get3A_81 : vector<16xi32> to vector<16xi32>
    %shift_right_logical3A_83 = arith.constant 1 : i32
    %shift_right_logical3A_84 = vector.broadcast %shift_right_logical3A_83 : i32 to vector<16xi32>
    %shift_right_logical3A_85 = arith.shrui %get3A_82, %shift_right_logical3A_84 : vector<16xi32>
    %swap3A_86 = arith.constant 64 : index
    %swap3A_87 = tpu.vector_load %arg10[%swap3A_86] {strides = array<i32>} : memref<128xi32, #tpu.memory_space<vmem>>, vector<16xi32>,
    %swap3A_88 = vector.shape_cast %swap3A_87 : vector<16xi32> to vector<16xi32>
    %swap3A_89 = vector.shape_cast %shift_right_logical3A_85 : vector<16xi32> to vector<16xi32>
    tpu.vector_store %arg10[%swap3A_86], %swap3A_89 {strides = array<i32>} : memref<128xi32, #tpu.memory_space<vmem>>, vector<16xi32>,
    %get3A_90 = arith.constant 64 : index
    %get3A_91 = tpu.vector_load %arg11[%get3A_90] {strides = array<i32>} : memref<128xi32, #tpu.memory_space<vmem>>, vector<16xi32>,
    %get3A_92 = vector.shape_cast %get3A_91 : vector<16xi32> to vector<16xi32>
    %shift_right_logical3A_93 = arith.constant 1 : i32
    %shift_right_logical3A_94 = vector.broadcast %shift_right_logical3A_93 : i32 to vector<16xi32>
    %shift_right_logical3A_95 = arith.shrui %get3A_92, %shift_right_logical3A_94 : vector<16xi32>
    %swap3A_96 = arith.constant 64 : index
    %swap3A_97 = tpu.vector_load %arg11[%swap3A_96] {strides = array<i32>} : memref<128xi32, #tpu.memory_space<vmem>>, vector<16xi32>,
    %swap3A_98 = vector.shape_cast %swap3A_97 : vector<16xi32> to vector<16xi32>
    %swap3A_99 = vector.shape_cast %shift_right_logical3A_95 : vector<16xi32> to vector<16xi32>
    tpu.vector_store %arg11[%swap3A_96], %swap3A_99 {strides = array<i32>} : memref<128xi32, #tpu.memory_space<vmem>>, vector<16xi32>,
    %get3A_100 = arith.constant 80 : index
    %get3A_101 = tpu.vector_load %arg10[%get3A_100] {strides = array<i32>} : memref<128xi32, #tpu.memory_space<vmem>>, vector<16xi32>,
    %get3A_102 = vector.shape_cast %get3A_101 : vector<16xi32> to vector<16xi32>
    %shift_right_logical3A_103 = arith.constant 1 : i32
    %shift_right_logical3A_104 = vector.broadcast %shift_right_logical3A_103 : i32 to vector<16xi32>
    %shift_right_logical3A_105 = arith.shrui %get3A_102, %shift_right_logical3A_104 : vector<16xi32>
    %swap3A_106 = arith.constant 80 : index
    %swap3A_107 = tpu.vector_load %arg10[%swap3A_106] {strides = array<i32>} : memref<128xi32, #tpu.memory_space<vmem>>, vector<16xi32>,
    %swap3A_108 = vector.shape_cast %swap3A_107 : vector<16xi32> to vector<16xi32>
    %swap3A_109 = vector.shape_cast %shift_right_logical3A_105 : vector<16xi32> to vector<16xi32>
    tpu.vector_store %arg10[%swap3A_106], %swap3A_109 {strides = array<i32>} : memref<128xi32, #tpu.memory_space<vmem>>, vector<16xi32>,
    %get3A_110 = arith.constant 80 : index
    %get3A_111 = tpu.vector_load %arg11[%get3A_110] {strides = array<i32>} : memref<128xi32, #tpu.memory_space<vmem>>, vector<16xi32>,
    %get3A_112 = vector.shape_cast %get3A_111 : vector<16xi32> to vector<16xi32>
    %shift_right_logical3A_113 = arith.constant 1 : i32
    %shift_right_logical3A_114 = vector.broadcast %shift_right_logical3A_113 : i32 to vector<16xi32>
    %shift_right_logical3A_115 = arith.shrui %get3A_112, %shift_right_logical3A_114 : vector<16xi32>
    %swap3A_116 = arith.constant 80 : index
    %swap3A_117 = tpu.vector_load %arg11[%swap3A_116] {strides = array<i32>} : memref<128xi32, #tpu.memory_space<vmem>>, vector<16xi32>,
    %swap3A_118 = vector.shape_cast %swap3A_117 : vector<16xi32> to vector<16xi32>
    %swap3A_119 = vector.shape_cast %shift_right_logical3A_115 : vector<16xi32> to vector<16xi32>
    tpu.vector_store %arg11[%swap3A_116], %swap3A_119 {strides = array<i32>} : memref<128xi32, #tpu.memory_space<vmem>>, vector<16xi32>,
    %get3A_120 = arith.constant 96 : index
    %get3A_121 = tpu.vector_load %arg10[%get3A_120] {strides = array<i32>} : memref<128xi32, #tpu.memory_space<vmem>>, vector<16xi32>,
    %get3A_122 = vector.shape_cast %get3A_121 : vector<16xi32> to vector<16xi32>
    %shift_right_logical3A_123 = arith.constant 1 : i32
    %shift_right_logical3A_124 = vector.broadcast %shift_right_logical3A_123 : i32 to vector<16xi32>
    %shift_right_logical3A_125 = arith.shrui %get3A_122, %shift_right_logical3A_124 : vector<16xi32>
    %swap3A_126 = arith.constant 96 : index
    %swap3A_127 = tpu.vector_load %arg10[%swap3A_126] {strides = array<i32>} : memref<128xi32, #tpu.memory_space<vmem>>, vector<16xi32>,
    %swap3A_128 = vector.shape_cast %swap3A_127 : vector<16xi32> to vector<16xi32>
    %swap3A_129 = vector.shape_cast %shift_right_logical3A_125 : vector<16xi32> to vector<16xi32>
    tpu.vector_store %arg10[%swap3A_126], %swap3A_129 {strides = array<i32>} : memref<128xi32, #tpu.memory_space<vmem>>, vector<16xi32>,
    %get3A_130 = arith.constant 96 : index
    %get3A_131 = tpu.vector_load %arg11[%get3A_130] {strides = array<i32>} : memref<128xi32, #tpu.memory_space<vmem>>, vector<16xi32>,
    %get3A_132 = vector.shape_cast %get3A_131 : vector<16xi32> to vector<16xi32>
    %shift_right_logical3A_133 = arith.constant 1 : i32
    %shift_right_logical3A_134 = vector.broadcast %shift_right_logical3A_133 : i32 to vector<16xi32>
    %shift_right_logical3A_135 = arith.shrui %get3A_132, %shift_right_logical3A_134 : vector<16xi32>
    %swap3A_136 = arith.constant 96 : index
    %swap3A_137 = tpu.vector_load %arg11[%swap3A_136] {strides = array<i32>} : memref<128xi32, #tpu.memory_space<vmem>>, vector<16xi32>,
    %swap3A_138 = vector.shape_cast %swap3A_137 : vector<16xi32> to vector<16xi32>
    %swap3A_139 = vector.shape_cast %shift_right_logical3A_135 : vector<16xi32> to vector<16xi32>
    tpu.vector_store %arg11[%swap3A_136], %swap3A_139 {strides = array<i32>} : memref<128xi32, #tpu.memory_space<vmem>>, vector<16xi32>,
    %get3A_140 = arith.constant 112 : index
    %get3A_141 = tpu.vector_load %arg10[%get3A_140] {strides = array<i32>} : memref<128xi32, #tpu.memory_space<vmem>>, vector<16xi32>,
    %get3A_142 = vector.shape_cast %get3A_141 : vector<16xi32> to vector<16xi32>
    %shift_right_logical3A_143 = arith.constant 1 : i32
    %shift_right_logical3A_144 = vector.broadcast %shift_right_logical3A_143 : i32 to vector<16xi32>
    %shift_right_logical3A_145 = arith.shrui %get3A_142, %shift_right_logical3A_144 : vector<16xi32>
    %swap3A_146 = arith.constant 112 : index
    %swap3A_147 = tpu.vector_load %arg10[%swap3A_146] {strides = array<i32>} : memref<128xi32, #tpu.memory_space<vmem>>, vector<16xi32>,
    %swap3A_148 = vector.shape_cast %swap3A_147 : vector<16xi32> to vector<16xi32>
    %swap3A_149 = vector.shape_cast %shift_right_logical3A_145 : vector<16xi32> to vector<16xi32>
    tpu.vector_store %arg10[%swap3A_146], %swap3A_149 {strides = array<i32>} : memref<128xi32, #tpu.memory_space<vmem>>, vector<16xi32>,
    %get3A_150 = arith.constant 112 : index
    %get3A_151 = tpu.vector_load %arg11[%get3A_150] {strides = array<i32>} : memref<128xi32, #tpu.memory_space<vmem>>, vector<16xi32>,
    %get3A_152 = vector.shape_cast %get3A_151 : vector<16xi32> to vector<16xi32>
    %shift_right_logical3A_153 = arith.constant 1 : i32
    %shift_right_logical3A_154 = vector.broadcast %shift_right_logical3A_153 : i32 to vector<16xi32>
    %shift_right_logical3A_155 = arith.shrui %get3A_152, %shift_right_logical3A_154 : vector<16xi32>
    %swap3A_156 = arith.constant 112 : index
    %swap3A_157 = tpu.vector_load %arg11[%swap3A_156] {strides = array<i32>} : memref<128xi32, #tpu.memory_space<vmem>>, vector<16xi32>,
    %swap3A_158 = vector.shape_cast %swap3A_157 : vector<16xi32> to vector<16xi32>
    %swap3A_159 = vector.shape_cast %shift_right_logical3A_155 : vector<16xi32> to vector<16xi32>
    tpu.vector_store %arg11[%swap3A_156], %swap3A_159 {strides = array<i32>} : memref<128xi32, #tpu.memory_space<vmem>>, vector<16xi32>,
    %dma_start3A = arith.constant 0 : i32
    %dma_start3A_160 = arith.constant 0 : i32
    %dma_start3A_161 = tpu.memref_slice %arg2[%dma_start3A, %dma_start3A_160] : memref<50000x128xf32, #tpu.memory_space<hbm>> -> memref<50000x128xf32, #tpu.memory_space<hbm>>
    tpu.enqueue_indirect_dma source(%dma_start3A_161 : memref<50000x128xf32, #tpu.memory_space<hbm>>) target(%arg12 : memref<128x128xf32, #tpu.memory_space<vmem>>) offsets(%arg10 : memref<128xi32, #tpu.memory_space<vmem>>) semaphore(%arg16 : memref<!tpu.dma_semaphore, #tpu.memory_space<semaphore_mem>>)
    %dma_start3A_162 = arith.constant 0 : i32
    %dma_start3A_163 = arith.constant 0 : i32
    %dma_start3A_164 = tpu.memref_slice %arg3[%dma_start3A_162, %dma_start3A_163] : memref<50000x128xf32, #tpu.memory_space<hbm>> -> memref<50000x128xf32, #tpu.memory_space<hbm>>
    tpu.enqueue_indirect_dma source(%dma_start3A_164 : memref<50000x128xf32, #tpu.memory_space<hbm>>) target(%arg13 : memref<128x128xf32, #tpu.memory_space<vmem>>) offsets(%arg10 : memref<128xi32, #tpu.memory_space<vmem>>) semaphore(%arg16 : memref<!tpu.dma_semaphore, #tpu.memory_space<semaphore_mem>>)
    %dma_start3A_165 = arith.constant 0 : i32
    %dma_start3A_166 = arith.constant 0 : i32
    %dma_start3A_167 = tpu.memref_slice %arg2[%dma_start3A_165, %dma_start3A_166] : memref<50000x128xf32, #tpu.memory_space<hbm>> -> memref<50000x128xf32, #tpu.memory_space<hbm>>
    tpu.enqueue_indirect_dma source(%dma_start3A_167 : memref<50000x128xf32, #tpu.memory_space<hbm>>) target(%arg14 : memref<128x128xf32, #tpu.memory_space<vmem>>) offsets(%arg11 : memref<128xi32, #tpu.memory_space<vmem>>) semaphore(%arg16 : memref<!tpu.dma_semaphore, #tpu.memory_space<semaphore_mem>>)
    %dma_start3A_168 = arith.constant 0 : i32
    %dma_start3A_169 = arith.constant 0 : i32
    %dma_start3A_170 = tpu.memref_slice %arg3[%dma_start3A_168, %dma_start3A_169] : memref<50000x128xf32, #tpu.memory_space<hbm>> -> memref<50000x128xf32, #tpu.memory_space<hbm>>
    tpu.enqueue_indirect_dma source(%dma_start3A_170 : memref<50000x128xf32, #tpu.memory_space<hbm>>) target(%arg15 : memref<128x128xf32, #tpu.memory_space<vmem>>) offsets(%arg11 : memref<128xi32, #tpu.memory_space<vmem>>) semaphore(%arg16 : memref<!tpu.dma_semaphore, #tpu.memory_space<semaphore_mem>>)
    %dma_wait3A = arith.constant 0 : i32
    %dma_wait3A_171 = arith.constant 0 : i32
    %dma_wait3A_172 = tpu.memref_slice %arg2[%dma_wait3A, %dma_wait3A_171] : memref<50000x128xf32, #tpu.memory_space<hbm>> -> memref<50000x128xf32, #tpu.memory_space<hbm>>
    tpu.wait_indirect_dma semaphore(%arg16 : memref<!tpu.dma_semaphore, #tpu.memory_space<semaphore_mem>>) src(%dma_wait3A_172 : memref<50000x128xf32, #tpu.memory_space<hbm>>) dst(%arg12 : memref<128x128xf32, #tpu.memory_space<vmem>>)
    %dma_wait3A_173 = arith.constant 0 : i32
    %dma_wait3A_174 = arith.constant 0 : i32
    %dma_wait3A_175 = tpu.memref_slice %arg3[%dma_wait3A_173, %dma_wait3A_174] : memref<50000x128xf32, #tpu.memory_space<hbm>> -> memref<50000x128xf32, #tpu.memory_space<hbm>>
    tpu.wait_indirect_dma semaphore(%arg16 : memref<!tpu.dma_semaphore, #tpu.memory_space<semaphore_mem>>) src(%dma_wait3A_175 : memref<50000x128xf32, #tpu.memory_space<hbm>>) dst(%arg13 : memref<128x128xf32, #tpu.memory_space<vmem>>)
    %dma_wait3A_176 = arith.constant 0 : i32
    %dma_wait3A_177 = arith.constant 0 : i32
    %dma_wait3A_178 = tpu.memref_slice %arg2[%dma_wait3A_176, %dma_wait3A_177] : memref<50000x128xf32, #tpu.memory_space<hbm>> -> memref<50000x128xf32, #tpu.memory_space<hbm>>
    tpu.wait_indirect_dma semaphore(%arg16 : memref<!tpu.dma_semaphore, #tpu.memory_space<semaphore_mem>>) src(%dma_wait3A_178 : memref<50000x128xf32, #tpu.memory_space<hbm>>) dst(%arg14 : memref<128x128xf32, #tpu.memory_space<vmem>>)
    %dma_wait3A_179 = arith.constant 0 : i32
    %dma_wait3A_180 = arith.constant 0 : i32
    %dma_wait3A_181 = tpu.memref_slice %arg3[%dma_wait3A_179, %dma_wait3A_180] : memref<50000x128xf32, #tpu.memory_space<hbm>> -> memref<50000x128xf32, #tpu.memory_space<hbm>>
    tpu.wait_indirect_dma semaphore(%arg16 : memref<!tpu.dma_semaphore, #tpu.memory_space<semaphore_mem>>) src(%dma_wait3A_181 : memref<50000x128xf32, #tpu.memory_space<hbm>>) dst(%arg15 : memref<128x128xf32, #tpu.memory_space<vmem>>)
    "tpu.region"() ({
      %run_scoped3A = tpu.sem_alloc : memref<!tpu.dma_semaphore, #tpu.memory_space<semaphore_mem>>
      %dma_start3A_182 = arith.constant 0 : i32
      %dma_start3A_183 = tpu.memref_slice %arg6[%mul3A_2, %dma_start3A_182] : memref<4096x128xf32, #tpu.memory_space<hbm>> -> memref<128x128xf32, #tpu.memory_space<hbm>>
      %dma_start3A_184 = arith.constant 0 : i32
      %dma_start3A_185 = tpu.memref_slice %arg6[%mul3A_2, %dma_start3A_184] : memref<4096x128xf32, #tpu.memory_space<hbm>> -> memref<128x128xf32, #tpu.memory_space<hbm>>
      tpu.enqueue_dma source(%arg12 : memref<128x128xf32, #tpu.memory_space<vmem>>) target(%dma_start3A_185 : memref<128x128xf32, #tpu.memory_space<hbm>>) target_semaphore(%run_scoped3A : memref<!tpu.dma_semaphore, #tpu.memory_space<semaphore_mem>>)
      %dma_wait3A_186 = arith.constant 0 : i32
      %dma_wait3A_187 = tpu.memref_slice %arg6[%mul3A_2, %dma_wait3A_186] : memref<4096x128xf32, #tpu.memory_space<hbm>> -> memref<128x128xf32, #tpu.memory_space<hbm>>
      %dma_wait3A_188 = arith.constant 0 : i32
      %dma_wait3A_189 = tpu.memref_slice %arg6[%mul3A_2, %dma_wait3A_188] : memref<4096x128xf32, #tpu.memory_space<hbm>> -> memref<128x128xf32, #tpu.memory_space<hbm>>
      tpu.wait_dma2 semaphore(%run_scoped3A : memref<!tpu.dma_semaphore, #tpu.memory_space<semaphore_mem>>) src(%arg12 : memref<128x128xf32, #tpu.memory_space<vmem>>) dst(%dma_wait3A_189 : memref<128x128xf32, #tpu.memory_space<hbm>>)
      tpu.yield
    }) : () -> ()
    "tpu.region"() ({
      %run_scoped3A = tpu.sem_alloc : memref<!tpu.dma_semaphore, #tpu.memory_space<semaphore_mem>>
      %dma_start3A_182 = arith.constant 0 : i32
      %dma_start3A_183 = tpu.memref_slice %arg7[%mul3A_2, %dma_start3A_182] : memref<4096x128xf32, #tpu.memory_space<hbm>> -> memref<128x128xf32, #tpu.memory_space<hbm>>
      %dma_start3A_184 = arith.constant 0 : i32
      %dma_start3A_185 = tpu.memref_slice %arg7[%mul3A_2, %dma_start3A_184] : memref<4096x128xf32, #tpu.memory_space<hbm>> -> memref<128x128xf32, #tpu.memory_space<hbm>>
      tpu.enqueue_dma source(%arg13 : memref<128x128xf32, #tpu.memory_space<vmem>>) target(%dma_start3A_185 : memref<128x128xf32, #tpu.memory_space<hbm>>) target_semaphore(%run_scoped3A : memref<!tpu.dma_semaphore, #tpu.memory_space<semaphore_mem>>)
      %dma_wait3A_186 = arith.constant 0 : i32
      %dma_wait3A_187 = tpu.memref_slice %arg7[%mul3A_2, %dma_wait3A_186] : memref<4096x128xf32, #tpu.memory_space<hbm>> -> memref<128x128xf32, #tpu.memory_space<hbm>>
      %dma_wait3A_188 = arith.constant 0 : i32
      %dma_wait3A_189 = tpu.memref_slice %arg7[%mul3A_2, %dma_wait3A_188] : memref<4096x128xf32, #tpu.memory_space<hbm>> -> memref<128x128xf32, #tpu.memory_space<hbm>>
      tpu.wait_dma2 semaphore(%run_scoped3A : memref<!tpu.dma_semaphore, #tpu.memory_space<semaphore_mem>>) src(%arg13 : memref<128x128xf32, #tpu.memory_space<vmem>>) dst(%dma_wait3A_189 : memref<128x128xf32, #tpu.memory_space<hbm>>)
      tpu.yield
    }) : () -> ()
    "tpu.region"() ({
      %run_scoped3A = tpu.sem_alloc : memref<!tpu.dma_semaphore, #tpu.memory_space<semaphore_mem>>
      %dma_start3A_182 = arith.constant 0 : i32
      %dma_start3A_183 = tpu.memref_slice %arg8[%mul3A_2, %dma_start3A_182] : memref<4096x128xf32, #tpu.memory_space<hbm>> -> memref<128x128xf32, #tpu.memory_space<hbm>>
      %dma_start3A_184 = arith.constant 0 : i32
      %dma_start3A_185 = tpu.memref_slice %arg8[%mul3A_2, %dma_start3A_184] : memref<4096x128xf32, #tpu.memory_space<hbm>> -> memref<128x128xf32, #tpu.memory_space<hbm>>
      tpu.enqueue_dma source(%arg14 : memref<128x128xf32, #tpu.memory_space<vmem>>) target(%dma_start3A_185 : memref<128x128xf32, #tpu.memory_space<hbm>>) target_semaphore(%run_scoped3A : memref<!tpu.dma_semaphore, #tpu.memory_space<semaphore_mem>>)
      %dma_wait3A_186 = arith.constant 0 : i32
      %dma_wait3A_187 = tpu.memref_slice %arg8[%mul3A_2, %dma_wait3A_186] : memref<4096x128xf32, #tpu.memory_space<hbm>> -> memref<128x128xf32, #tpu.memory_space<hbm>>
      %dma_wait3A_188 = arith.constant 0 : i32
      %dma_wait3A_189 = tpu.memref_slice %arg8[%mul3A_2, %dma_wait3A_188] : memref<4096x128xf32, #tpu.memory_space<hbm>> -> memref<128x128xf32, #tpu.memory_space<hbm>>
      tpu.wait_dma2 semaphore(%run_scoped3A : memref<!tpu.dma_semaphore, #tpu.memory_space<semaphore_mem>>) src(%arg14 : memref<128x128xf32, #tpu.memory_space<vmem>>) dst(%dma_wait3A_189 : memref<128x128xf32, #tpu.memory_space<hbm>>)
      tpu.yield
    }) : () -> ()
    "tpu.region"() ({
      %run_scoped3A = tpu.sem_alloc : memref<!tpu.dma_semaphore, #tpu.memory_space<semaphore_mem>>
      %dma_start3A_182 = arith.constant 0 : i32
      %dma_start3A_183 = tpu.memref_slice %arg9[%mul3A_2, %dma_start3A_182] : memref<4096x128xf32, #tpu.memory_space<hbm>> -> memref<128x128xf32, #tpu.memory_space<hbm>>
      %dma_start3A_184 = arith.constant 0 : i32
      %dma_start3A_185 = tpu.memref_slice %arg9[%mul3A_2, %dma_start3A_184] : memref<4096x128xf32, #tpu.memory_space<hbm>> -> memref<128x128xf32, #tpu.memory_space<hbm>>
      tpu.enqueue_dma source(%arg15 : memref<128x128xf32, #tpu.memory_space<vmem>>) target(%dma_start3A_185 : memref<128x128xf32, #tpu.memory_space<hbm>>) target_semaphore(%run_scoped3A : memref<!tpu.dma_semaphore, #tpu.memory_space<semaphore_mem>>)
      %dma_wait3A_186 = arith.constant 0 : i32
      %dma_wait3A_187 = tpu.memref_slice %arg9[%mul3A_2, %dma_wait3A_186] : memref<4096x128xf32, #tpu.memory_space<hbm>> -> memref<128x128xf32, #tpu.memory_space<hbm>>
      %dma_wait3A_188 = arith.constant 0 : i32
      %dma_wait3A_189 = tpu.memref_slice %arg9[%mul3A_2, %dma_wait3A_188] : memref<4096x128xf32, #tpu.memory_space<hbm>> -> memref<128x128xf32, #tpu.memory_space<hbm>>
      tpu.wait_dma2 semaphore(%run_scoped3A : memref<!tpu.dma_semaphore, #tpu.memory_space<semaphore_mem>>) src(%arg15 : memref<128x128xf32, #tpu.memory_space<vmem>>) dst(%dma_wait3A_189 : memref<128x128xf32, #tpu.memory_space<hbm>>)
      tpu.yield
    }) : () -> ()
    return
  }
}

module attributes {stable_mosaic.version = 14 : i64} {
  func.func @_box_math_body(%arg0: i32, %arg1: memref<512xi32, #tpu.memory_space<vmem>>, %arg2: memref<512xi32, #tpu.memory_space<vmem>>, %arg3: memref<512x128xf32, #tpu.memory_space<vmem>>, %arg4: memref<512x128xf32, #tpu.memory_space<vmem>>, %arg5: memref<512x128xf32, #tpu.memory_space<vmem>>, %arg6: memref<512x128xf32, #tpu.memory_space<vmem>>, %arg7: memref<512xf32, #tpu.memory_space<vmem>>) attributes {dimension_semantics = [#tpu.dimension_semantics<arbitrary>], iteration_bounds = array<i64: 8>, scalar_prefetch = 0 : i64, scratch_operands = 0 : i64, tpu.core_type = #tpu.core_type<tc>, window_params = [{transform_indices = @transform_0, window_bounds = array<i64: 512>}, {transform_indices = @transform_1, window_bounds = array<i64: 512>}, {transform_indices = @transform_2, window_bounds = array<i64: 512, 128>}, {transform_indices = @transform_3, window_bounds = array<i64: 512, 128>}, {transform_indices = @transform_4, window_bounds = array<i64: 512, 128>}, {transform_indices = @transform_5, window_bounds = array<i64: 512, 128>}, {transform_indices = @transform_6, window_bounds = array<i64: 512>}]} {
    %get3A = arith.constant 0 : index
    %get3A_0 = vector.load %arg1[%get3A] : memref<512xi32, #tpu.memory_space<vmem>>, vector<512xi32>
    %and3A = arith.constant 1 : i32
    %and3A_1 = vector.broadcast %and3A : i32 to vector<512xi32>
    %and3A_2 = arith.andi %get3A_0, %and3A_1 : vector<512xi32>
    %broadcast_in_dim3A = vector.shape_cast %and3A_2 : vector<512xi32> to vector<512x1xi32>
    %eq3A = arith.constant 1 : i32
    %eq3A_3 = vector.broadcast %eq3A : i32 to vector<512x1xi32>
    %eq3A_4 = arith.cmpi eq, %broadcast_in_dim3A, %eq3A_3 : vector<512x1xi32>
    %get3A_5 = arith.constant 0 : index
    %get3A_6 = vector.load %arg2[%get3A_5] : memref<512xi32, #tpu.memory_space<vmem>>, vector<512xi32>
    %and3A_7 = arith.constant 1 : i32
    %and3A_8 = vector.broadcast %and3A_7 : i32 to vector<512xi32>
    %and3A_9 = arith.andi %get3A_6, %and3A_8 : vector<512xi32>
    %broadcast_in_dim3A_10 = vector.shape_cast %and3A_9 : vector<512xi32> to vector<512x1xi32>
    %eq3A_11 = arith.constant 1 : i32
    %eq3A_12 = vector.broadcast %eq3A_11 : i32 to vector<512x1xi32>
    %eq3A_13 = arith.cmpi eq, %broadcast_in_dim3A_10, %eq3A_12 : vector<512x1xi32>
    %get3A_14 = arith.constant 0 : index
    %get3A_15 = arith.constant 0 : index
    %get3A_16 = vector.load %arg3[%get3A_14, %get3A_15] : memref<512x128xf32, #tpu.memory_space<vmem>>, vector<512x128xf32>
    %slice3A = vector.extract_strided_slice %get3A_16 {offsets = [0, 64], sizes = [512, 64], strides = [1, 1]} : vector<512x128xf32> to vector<512x64xf32>
    %slice3A_17 = vector.extract_strided_slice %get3A_16 {offsets = [0, 0], sizes = [512, 64], strides = [1, 1]} : vector<512x128xf32> to vector<512x64xf32>
    %broadcast_in_dim3A_18 = vector.shape_cast %eq3A_4 : vector<512x1xi1> to vector<512x1xi1>
    %broadcast_in_dim3A_19 = vector.broadcast %broadcast_in_dim3A_18 : vector<512x1xi1> to vector<512x64xi1>
    %select_n3A = arith.select %broadcast_in_dim3A_19, %slice3A, %slice3A_17 : vector<512x64xi1>, vector<512x64xf32>
    %get3A_20 = arith.constant 0 : index
    %get3A_21 = arith.constant 0 : index
    %get3A_22 = vector.load %arg4[%get3A_20, %get3A_21] : memref<512x128xf32, #tpu.memory_space<vmem>>, vector<512x128xf32>
    %slice3A_23 = vector.extract_strided_slice %get3A_22 {offsets = [0, 64], sizes = [512, 64], strides = [1, 1]} : vector<512x128xf32> to vector<512x64xf32>
    %slice3A_24 = vector.extract_strided_slice %get3A_22 {offsets = [0, 0], sizes = [512, 64], strides = [1, 1]} : vector<512x128xf32> to vector<512x64xf32>
    %broadcast_in_dim3A_25 = vector.shape_cast %eq3A_4 : vector<512x1xi1> to vector<512x1xi1>
    %broadcast_in_dim3A_26 = vector.broadcast %broadcast_in_dim3A_25 : vector<512x1xi1> to vector<512x64xi1>
    %select_n3A_27 = arith.select %broadcast_in_dim3A_26, %slice3A_23, %slice3A_24 : vector<512x64xi1>, vector<512x64xf32>
    %custom_jvp_call3A = arith.constant 0.000000e+00 : f32
    %max3A = vector.broadcast %custom_jvp_call3A : f32 to vector<512x64xf32>
    %max3A_28 = arith.maximumf %select_n3A_27, %max3A : vector<512x64xf32>
    %sub3A = vector.broadcast %custom_jvp_call3A : f32 to vector<512x64xf32>
    %sub3A_29 = arith.subf %select_n3A_27, %sub3A : vector<512x64xf32>
    %ne3A = arith.cmpf one, %sub3A_29, %sub3A_29 : vector<512x64xf32>
    %add3A = vector.broadcast %custom_jvp_call3A : f32 to vector<512x64xf32>
    %add3A_30 = arith.addf %select_n3A_27, %add3A : vector<512x64xf32>
    %abs3A = math.absf %sub3A_29 : vector<512x64xf32>
    %neg3A = arith.constant 0.000000e+00 : f32
    %neg3A_31 = vector.broadcast %neg3A : f32 to vector<512x64xf32>
    %neg3A_32 = arith.subf %neg3A_31, %abs3A : vector<512x64xf32>
    %exp3A = math.exp %neg3A_32 : vector<512x64xf32>
    %log1p3A = math.log1p %exp3A : vector<512x64xf32>
    %add3A_33 = arith.addf %max3A_28, %log1p3A : vector<512x64xf32>
    %select_n3A_34 = arith.select %ne3A, %add3A_30, %add3A_33 : vector<512x64xi1>, vector<512x64xf32>
    %mul3A = arith.constant 5.000000e-01 : f32
    %mul3A_35 = vector.broadcast %mul3A : f32 to vector<512x64xf32>
    %mul3A_36 = arith.mulf %select_n3A_34, %mul3A_35 : vector<512x64xf32>
    %get3A_37 = arith.constant 0 : index
    %get3A_38 = arith.constant 0 : index
    %get3A_39 = vector.load %arg5[%get3A_37, %get3A_38] : memref<512x128xf32, #tpu.memory_space<vmem>>, vector<512x128xf32>
    %slice3A_40 = vector.extract_strided_slice %get3A_39 {offsets = [0, 64], sizes = [512, 64], strides = [1, 1]} : vector<512x128xf32> to vector<512x64xf32>
    %slice3A_41 = vector.extract_strided_slice %get3A_39 {offsets = [0, 0], sizes = [512, 64], strides = [1, 1]} : vector<512x128xf32> to vector<512x64xf32>
    %broadcast_in_dim3A_42 = vector.shape_cast %eq3A_13 : vector<512x1xi1> to vector<512x1xi1>
    %broadcast_in_dim3A_43 = vector.broadcast %broadcast_in_dim3A_42 : vector<512x1xi1> to vector<512x64xi1>
    %select_n3A_44 = arith.select %broadcast_in_dim3A_43, %slice3A_40, %slice3A_41 : vector<512x64xi1>, vector<512x64xf32>
    %get3A_45 = arith.constant 0 : index
    %get3A_46 = arith.constant 0 : index
    %get3A_47 = vector.load %arg6[%get3A_45, %get3A_46] : memref<512x128xf32, #tpu.memory_space<vmem>>, vector<512x128xf32>
    %slice3A_48 = vector.extract_strided_slice %get3A_47 {offsets = [0, 64], sizes = [512, 64], strides = [1, 1]} : vector<512x128xf32> to vector<512x64xf32>
    %slice3A_49 = vector.extract_strided_slice %get3A_47 {offsets = [0, 0], sizes = [512, 64], strides = [1, 1]} : vector<512x128xf32> to vector<512x64xf32>
    %broadcast_in_dim3A_50 = vector.shape_cast %eq3A_13 : vector<512x1xi1> to vector<512x1xi1>
    %broadcast_in_dim3A_51 = vector.broadcast %broadcast_in_dim3A_50 : vector<512x1xi1> to vector<512x64xi1>
    %select_n3A_52 = arith.select %broadcast_in_dim3A_51, %slice3A_48, %slice3A_49 : vector<512x64xi1>, vector<512x64xf32>
    %custom_jvp_call3A_53 = arith.constant 0.000000e+00 : f32
    %max3A_54 = vector.broadcast %custom_jvp_call3A_53 : f32 to vector<512x64xf32>
    %max3A_55 = arith.maximumf %select_n3A_52, %max3A_54 : vector<512x64xf32>
    %sub3A_56 = vector.broadcast %custom_jvp_call3A_53 : f32 to vector<512x64xf32>
    %sub3A_57 = arith.subf %select_n3A_52, %sub3A_56 : vector<512x64xf32>
    %ne3A_58 = arith.cmpf one, %sub3A_57, %sub3A_57 : vector<512x64xf32>
    %add3A_59 = vector.broadcast %custom_jvp_call3A_53 : f32 to vector<512x64xf32>
    %add3A_60 = arith.addf %select_n3A_52, %add3A_59 : vector<512x64xf32>
    %abs3A_61 = math.absf %sub3A_57 : vector<512x64xf32>
    %neg3A_62 = arith.constant 0.000000e+00 : f32
    %neg3A_63 = vector.broadcast %neg3A_62 : f32 to vector<512x64xf32>
    %neg3A_64 = arith.subf %neg3A_63, %abs3A_61 : vector<512x64xf32>
    %exp3A_65 = math.exp %neg3A_64 : vector<512x64xf32>
    %log1p3A_66 = math.log1p %exp3A_65 : vector<512x64xf32>
    %add3A_67 = arith.addf %max3A_55, %log1p3A_66 : vector<512x64xf32>
    %select_n3A_68 = arith.select %ne3A_58, %add3A_60, %add3A_67 : vector<512x64xi1>, vector<512x64xf32>
    %mul3A_69 = arith.constant 5.000000e-01 : f32
    %mul3A_70 = vector.broadcast %mul3A_69 : f32 to vector<512x64xf32>
    %mul3A_71 = arith.mulf %select_n3A_68, %mul3A_70 : vector<512x64xf32>
    %sub3A_72 = arith.subf %select_n3A, %mul3A_36 : vector<512x64xf32>
    %add3A_73 = arith.addf %select_n3A, %mul3A_36 : vector<512x64xf32>
    %sub3A_74 = arith.subf %select_n3A_44, %mul3A_71 : vector<512x64xf32>
    %add3A_75 = arith.addf %select_n3A_44, %mul3A_71 : vector<512x64xf32>
    %div3A = arith.constant 0.00999999977 : f32
    %div3A_76 = vector.broadcast %div3A : f32 to vector<512x64xf32>
    %div3A_77 = arith.divf %sub3A_72, %div3A_76 : vector<512x64xf32>
    %div3A_78 = arith.constant 0.00999999977 : f32
    %div3A_79 = vector.broadcast %div3A_78 : f32 to vector<512x64xf32>
    %div3A_80 = arith.divf %sub3A_74, %div3A_79 : vector<512x64xf32>
    %max3A_81 = arith.maximumf %div3A_77, %div3A_80 : vector<512x64xf32>
    %sub3A_82 = arith.subf %div3A_77, %div3A_80 : vector<512x64xf32>
    %ne3A_83 = arith.cmpf one, %sub3A_82, %sub3A_82 : vector<512x64xf32>
    %add3A_84 = arith.addf %div3A_77, %div3A_80 : vector<512x64xf32>
    %abs3A_85 = math.absf %sub3A_82 : vector<512x64xf32>
    %neg3A_86 = arith.constant 0.000000e+00 : f32
    %neg3A_87 = vector.broadcast %neg3A_86 : f32 to vector<512x64xf32>
    %neg3A_88 = arith.subf %neg3A_87, %abs3A_85 : vector<512x64xf32>
    %exp3A_89 = math.exp %neg3A_88 : vector<512x64xf32>
    %log1p3A_90 = math.log1p %exp3A_89 : vector<512x64xf32>
    %add3A_91 = arith.addf %max3A_81, %log1p3A_90 : vector<512x64xf32>
    %select_n3A_92 = arith.select %ne3A_83, %add3A_84, %add3A_91 : vector<512x64xi1>, vector<512x64xf32>
    %mul3A_93 = arith.constant 0.00999999977 : f32
    %mul3A_94 = vector.broadcast %mul3A_93 : f32 to vector<512x64xf32>
    %mul3A_95 = arith.mulf %mul3A_94, %select_n3A_92 : vector<512x64xf32>
    %neg3A_96 = arith.constant 0.000000e+00 : f32
    %neg3A_97 = vector.broadcast %neg3A_96 : f32 to vector<512x64xf32>
    %neg3A_98 = arith.subf %neg3A_97, %add3A_73 : vector<512x64xf32>
    %div3A_99 = arith.constant 0.00999999977 : f32
    %div3A_100 = vector.broadcast %div3A_99 : f32 to vector<512x64xf32>
    %div3A_101 = arith.divf %neg3A_98, %div3A_100 : vector<512x64xf32>
    %neg3A_102 = arith.constant 0.000000e+00 : f32
    %neg3A_103 = vector.broadcast %neg3A_102 : f32 to vector<512x64xf32>
    %neg3A_104 = arith.subf %neg3A_103, %add3A_75 : vector<512x64xf32>
    %div3A_105 = arith.constant 0.00999999977 : f32
    %div3A_106 = vector.broadcast %div3A_105 : f32 to vector<512x64xf32>
    %div3A_107 = arith.divf %neg3A_104, %div3A_106 : vector<512x64xf32>
    %max3A_108 = arith.maximumf %div3A_101, %div3A_107 : vector<512x64xf32>
    %sub3A_109 = arith.subf %div3A_101, %div3A_107 : vector<512x64xf32>
    %ne3A_110 = arith.cmpf one, %sub3A_109, %sub3A_109 : vector<512x64xf32>
    %add3A_111 = arith.addf %div3A_101, %div3A_107 : vector<512x64xf32>
    %abs3A_112 = math.absf %sub3A_109 : vector<512x64xf32>
    %neg3A_113 = arith.constant 0.000000e+00 : f32
    %neg3A_114 = vector.broadcast %neg3A_113 : f32 to vector<512x64xf32>
    %neg3A_115 = arith.subf %neg3A_114, %abs3A_112 : vector<512x64xf32>
    %exp3A_116 = math.exp %neg3A_115 : vector<512x64xf32>
    %log1p3A_117 = math.log1p %exp3A_116 : vector<512x64xf32>
    %add3A_118 = arith.addf %max3A_108, %log1p3A_117 : vector<512x64xf32>
    %select_n3A_119 = arith.select %ne3A_110, %add3A_111, %add3A_118 : vector<512x64xi1>, vector<512x64xf32>
    %mul3A_120 = arith.constant -0.00999999977 : f32
    %mul3A_121 = vector.broadcast %mul3A_120 : f32 to vector<512x64xf32>
    %mul3A_122 = arith.mulf %mul3A_121, %select_n3A_119 : vector<512x64xf32>
    %max3A_123 = arith.maximumf %sub3A_72, %sub3A_74 : vector<512x64xf32>
    %max3A_124 = arith.maximumf %mul3A_95, %max3A_123 : vector<512x64xf32>
    %min3A = arith.minimumf %add3A_73, %add3A_75 : vector<512x64xf32>
    %min3A_125 = arith.minimumf %mul3A_122, %min3A : vector<512x64xf32>
    %sub3A_126 = arith.subf %min3A_125, %max3A_124 : vector<512x64xf32>
    %sub3A_127 = arith.constant 0.0115443133 : f32
    %sub3A_128 = vector.broadcast %sub3A_127 : f32 to vector<512x64xf32>
    %sub3A_129 = arith.subf %sub3A_126, %sub3A_128 : vector<512x64xf32>
    %div3A_130 = arith.constant 1.000000e+00 : f32
    %div3A_131 = vector.broadcast %div3A_130 : f32 to vector<512x64xf32>
    %div3A_132 = arith.divf %sub3A_129, %div3A_131 : vector<512x64xf32>
    %custom_jvp_call3A_133 = arith.constant 0.000000e+00 : f32
    %max3A_134 = vector.broadcast %custom_jvp_call3A_133 : f32 to vector<512x64xf32>
    %max3A_135 = arith.maximumf %div3A_132, %max3A_134 : vector<512x64xf32>
    %sub3A_136 = vector.broadcast %custom_jvp_call3A_133 : f32 to vector<512x64xf32>
    %sub3A_137 = arith.subf %div3A_132, %sub3A_136 : vector<512x64xf32>
    %ne3A_138 = arith.cmpf one, %sub3A_137, %sub3A_137 : vector<512x64xf32>
    %add3A_139 = vector.broadcast %custom_jvp_call3A_133 : f32 to vector<512x64xf32>
    %add3A_140 = arith.addf %div3A_132, %add3A_139 : vector<512x64xf32>
    %abs3A_141 = math.absf %sub3A_137 : vector<512x64xf32>
    %neg3A_142 = arith.constant 0.000000e+00 : f32
    %neg3A_143 = vector.broadcast %neg3A_142 : f32 to vector<512x64xf32>
    %neg3A_144 = arith.subf %neg3A_143, %abs3A_141 : vector<512x64xf32>
    %exp3A_145 = math.exp %neg3A_144 : vector<512x64xf32>
    %log1p3A_146 = math.log1p %exp3A_145 : vector<512x64xf32>
    %add3A_147 = arith.addf %max3A_135, %log1p3A_146 : vector<512x64xf32>
    %select_n3A_148 = arith.select %ne3A_138, %add3A_140, %add3A_147 : vector<512x64xi1>, vector<512x64xf32>
    %mul3A_149 = arith.constant 1.000000e+00 : f32
    %mul3A_150 = vector.broadcast %mul3A_149 : f32 to vector<512x64xf32>
    %mul3A_151 = arith.mulf %mul3A_150, %select_n3A_148 : vector<512x64xf32>
    %add3A_152 = arith.constant 9.99999968E-21 : f32
    %add3A_153 = vector.broadcast %add3A_152 : f32 to vector<512x64xf32>
    %add3A_154 = arith.addf %mul3A_151, %add3A_153 : vector<512x64xf32>
    %log3A = math.log %add3A_154 : vector<512x64xf32>
    %reduce_sum3A = arith.constant dense<0.000000e+00> : vector<512xf32>
    %reduce_sum3A_155 = vector.multi_reduction <add>, %log3A, %reduce_sum3A [1] : vector<512x64xf32> to vector<512xf32>
    %sub3A_156 = arith.subf %add3A_75, %sub3A_74 : vector<512x64xf32>
    %sub3A_157 = arith.constant 0.0115443133 : f32
    %sub3A_158 = vector.broadcast %sub3A_157 : f32 to vector<512x64xf32>
    %sub3A_159 = arith.subf %sub3A_156, %sub3A_158 : vector<512x64xf32>
    %div3A_160 = arith.constant 1.000000e+00 : f32
    %div3A_161 = vector.broadcast %div3A_160 : f32 to vector<512x64xf32>
    %div3A_162 = arith.divf %sub3A_159, %div3A_161 : vector<512x64xf32>
    %custom_jvp_call3A_163 = arith.constant 0.000000e+00 : f32
    %max3A_164 = vector.broadcast %custom_jvp_call3A_163 : f32 to vector<512x64xf32>
    %max3A_165 = arith.maximumf %div3A_162, %max3A_164 : vector<512x64xf32>
    %sub3A_166 = vector.broadcast %custom_jvp_call3A_163 : f32 to vector<512x64xf32>
    %sub3A_167 = arith.subf %div3A_162, %sub3A_166 : vector<512x64xf32>
    %ne3A_168 = arith.cmpf one, %sub3A_167, %sub3A_167 : vector<512x64xf32>
    %add3A_169 = vector.broadcast %custom_jvp_call3A_163 : f32 to vector<512x64xf32>
    %add3A_170 = arith.addf %div3A_162, %add3A_169 : vector<512x64xf32>
    %abs3A_171 = math.absf %sub3A_167 : vector<512x64xf32>
    %neg3A_172 = arith.constant 0.000000e+00 : f32
    %neg3A_173 = vector.broadcast %neg3A_172 : f32 to vector<512x64xf32>
    %neg3A_174 = arith.subf %neg3A_173, %abs3A_171 : vector<512x64xf32>
    %exp3A_175 = math.exp %neg3A_174 : vector<512x64xf32>
    %log1p3A_176 = math.log1p %exp3A_175 : vector<512x64xf32>
    %add3A_177 = arith.addf %max3A_165, %log1p3A_176 : vector<512x64xf32>
    %select_n3A_178 = arith.select %ne3A_168, %add3A_170, %add3A_177 : vector<512x64xi1>, vector<512x64xf32>
    %mul3A_179 = arith.constant 1.000000e+00 : f32
    %mul3A_180 = vector.broadcast %mul3A_179 : f32 to vector<512x64xf32>
    %mul3A_181 = arith.mulf %mul3A_180, %select_n3A_178 : vector<512x64xf32>
    %add3A_182 = arith.constant 9.99999968E-21 : f32
    %add3A_183 = vector.broadcast %add3A_182 : f32 to vector<512x64xf32>
    %add3A_184 = arith.addf %mul3A_181, %add3A_183 : vector<512x64xf32>
    %log3A_185 = math.log %add3A_184 : vector<512x64xf32>
    %reduce_sum3A_186 = arith.constant dense<0.000000e+00> : vector<512xf32>
    %reduce_sum3A_187 = vector.multi_reduction <add>, %log3A_185, %reduce_sum3A_186 [1] : vector<512x64xf32> to vector<512xf32>
    %sub3A_188 = arith.subf %reduce_sum3A_155, %reduce_sum3A_187 : vector<512xf32>
    %swap3A = arith.constant 0 : index
    %swap3A_189 = vector.load %arg7[%swap3A] : memref<512xf32, #tpu.memory_space<vmem>>, vector<512xf32>
    tpu.vector_store %arg7[%swap3A], %sub3A_188 {strides = array<i32>} : memref<512xf32, #tpu.memory_space<vmem>>, vector<512xf32>,
    return
  }
  func.func @transform_0(%arg0: i32) -> i32 {
    %c0_i32 = arith.constant 0 : i32
    return %arg0 : i32
  }
  func.func @transform_1(%arg0: i32) -> i32 {
    %c0_i32 = arith.constant 0 : i32
    return %arg0 : i32
  }
  func.func @transform_2(%arg0: i32) -> (i32, i32) {
    %c0_i32 = arith.constant 0 : i32
    %c0_i32_0 = arith.constant 0 : i32
    return %arg0, %c0_i32 : i32, i32
  }
  func.func @transform_3(%arg0: i32) -> (i32, i32) {
    %c0_i32 = arith.constant 0 : i32
    %c0_i32_0 = arith.constant 0 : i32
    return %arg0, %c0_i32 : i32, i32
  }
  func.func @transform_4(%arg0: i32) -> (i32, i32) {
    %c0_i32 = arith.constant 0 : i32
    %c0_i32_0 = arith.constant 0 : i32
    return %arg0, %c0_i32 : i32, i32
  }
  func.func @transform_5(%arg0: i32) -> (i32, i32) {
    %c0_i32 = arith.constant 0 : i32
    %c0_i32_0 = arith.constant 0 : i32
    return %arg0, %c0_i32 : i32, i32
  }
  func.func @transform_6(%arg0: i32) -> i32 {
    %c0_i32 = arith.constant 0 : i32
    return %arg0 : i32
  }
}

</mosaic_0001>

<sc_bundles>
// kernel: kernel.4.cloned.1.call-start
scs
__scs_entry_jumppad:
0x0: {  	(pc) =	sbr.rel $0x88, $3  }
0x1: {  	(tag) =	ssettag $0x0;
	lr =	simm.s32 $0x1  }
0x2: {  	[smem:$0x3F9D] =	sst lr;
	_ =	strace $0xD0000000  }
0x3: {  	_ = 	snop  }
0x4: {  	_ = 	snop  }
0x5: {  	_ = 	snop  }
0x6: {  	_ = 	snop  }
0x7: {  	_ = 	snop  }
__scs_overlays_trampoline_lowered:
0x8: {  	[smem:$0x3FAC] =	sst s0  }
0x9: {  	[smem:$0x3FAD] =	sst s1  }
0xa: {  	[smem:$0x3FAE] =	sst s2  }
0xb: {  	[smem:$0x3FAF] =	sst s3  }
0xc: {  	[smem:$0x3FB0] =	sst s4  }
0xd: {  	[smem:$0x3FB1] =	sst s5  }
0xe: {  	[smem:$0x3FB2] =	sst s6  }
0xf: {  	[smem:$0x3FB3] =	sst s7  }
0x10: {  	[smem:$0x3FB4] =	sst s8  }
0x11: {  	[smem:$0x3FB5] =	sst s9;
	s0 =	simm.s32 @!p0 $0x0  }
0x12: {  	s1 =	sld [smem:$0x3F9B];
	s0 =	simm.s32 @p0 $0x1  }
0x13: {  	[smem:$0x3FB6] =	sst s0;
	s0 =	simm.s32 @!p1 $0x0  }
0x14: {  	s2 =	sld [smem:$0x3F9A];
	s0 =	simm.s32 @p1 $0x1  }
0x15: {  	[smem:$0x3FB7] =	sst s0;
	s0 =	simm.s32 @!p2 $0x0  }
0x16: {  	s3 =	sld [smem:$0x3FDB];
	s0 =	simm.s32 @p2 $0x1  }
0x17: {  	s4 =	simm.s32 $0x1BF5;
	[smem:$0x3FB9] =	sst s0  }
0x18: {  	s0 =	sld [smem:$0x3F9C];
	_ =	swait.ge [sflag:s4], $0x0  }
0x19: {  	s7 =	sld [smem:$0x3F9D]  }
0x1a: {  	s8 =	sadd.s32 $0xFFFFE003, lr  }
0x1b: {  	s9 =	sadd.s32 $0xFFFFFEF7, lr;
	s5 =	simm.s32 $0xFFFFFFFF;
	p2 =	slt.u32 s8, $0xFFFFF086  }
0x1c: {  	p1 =	slt.u32 s9, $0xF7A;
	s5 =	simm.s32 @!p2 $0x0  }
0x1d: {  	s5 =	simm.s32 @p1 $0x1;
	p0 =	seq.s32 s7, s2  }
0x1e: {  	s7 =	smul.u32 @!p0 $0xF7A, s2;
	p2 =	seq.s32 @!p0 s5, $0x0  }
0x1f: {  	s9 =	smul.u32 $0xF7A, s1;
	s8 =	simm.s32 @!p0 $0x1BF5;
	p2 =	por !p2, p0  }
0x20: {  	[sflag:s8] =	ssyncset.s32 @!p0 $0xFFFFF086;
	s6 =	sadd.s32 @!p0 s3, s7;
	s7 =	simm.s32 @!p0 $0x108  }
0x21: {  	s3 =	sadd.s32 s3, s9;
	s6 =	sadd.s32 @!p0 $0x88, s6;
	s7 =	simm.s32 @p2 $0x1082  }
0x22: {  	[simem:s7], [sflag:s8] =	dma.local @!p0 [hbm:s6], $0xF7A  }
0x23: {  	s9 =	sor.u32 $0xD0000000, s2;
	s6 =	simm.s32 $0x108;
	_ =	swait.ge @!p0 [sflag:s8], $0x0  }
0x24: {  	s3 =	sadd.s32 $0x88, s3;
	s6 =	simm.s32 @!p1 $0x1082;
	[sflag:s4] =	ssyncset.s32 $0xFFFFF086  }
0x25: {  	[simem:s6], [sflag:s4] =	dma.local [hbm:s3], $0xF7A  }
0x26: {  	[smem:$0x3F9D] =	sst s1;
	(tag) =	ssettag s2;
	_ =	strace s9  }
0x27: {  	s1 =	sld [smem:$0x3FAD]  }
0x28: {  	s2 =	sld [smem:$0x3FAE]  }
0x29: {  	s4 =	sld [smem:$0x3FB0]  }
0x2a: {  	p0 =	seq.s32 s5, $0x0;
	s5 =	sld [smem:$0x3FB1]  }
0x2b: {  	s6 =	sld [smem:$0x3FB2]  }
0x2c: {  	s7 =	sld [smem:$0x3FB3]  }
0x2d: {  	s3 =	simm.s32 $0x108;
	s8 =	sld [smem:$0x3FB4]  }
0x2e: {  	s3 =	simm.s32 @!p0 $0x1082;
	s9 =	sld [smem:$0x3FB5]  }
0x2f: {  	lr =	sadd.s32 s0, s3;
	s0 =	sld [smem:$0x3FAC]  }
0x30: {  	s3 =	sld [smem:$0x3FAF]  }
0x31: {  	[smem:$0x3FB8] =	sst s10  }
0x32: {  	s10 =	sld [smem:$0x3FB6];
	_ =	sdelay $0x3  }
0x33: {  	p0 =	seq.s32 s10, $0x1;
	s10 =	sld [smem:$0x3FB8];
	_ =	sdelay $0x3  }
0x34: {  	[smem:$0x3FB8] =	sst s10  }
0x35: {  	s10 =	sld [smem:$0x3FB7];
	_ =	sdelay $0x3  }
0x36: {  	p1 =	seq.s32 s10, $0x1;
	s10 =	sld [smem:$0x3FB8];
	_ =	sdelay $0x3  }
0x37: {  	[smem:$0x3FB8] =	sst s10  }
0x38: {  	s10 =	sld [smem:$0x3FB9]  }
0x39: {  	_ = 	snop;
	(pc) =	sbr.ind lr, $3  }
0x3a: {  	_ = 	snop  }
0x3b: {  	_ = 	snop  }
0x3c: {  	p2 =	seq.s32 s10, $0x1;
	s10 =	sld [smem:$0x3FB8]  }
0x3d: {  	_ =	shalt  }
0x3e: {  	_ =	shalt  }
0x3f: {  	_ =	shalt  }
0x40: {  	_ =	shalt  }
0x41: {  	_ =	shalt  }
0x42: {  	_ =	shalt  }
0x43: {  	_ =	shalt  }
0x44: {  	_ =	shalt  }
0x45: {  	_ =	shalt  }
0x46: {  	_ =	shalt  }
0x47: {  	_ =	shalt  }
0x48: {  	_ =	shalt  }
0x49: {  	_ =	shalt  }
0x4a: {  	_ =	shalt  }
0x4b: {  	_ =	shalt  }
0x4c: {  	_ =	shalt  }
0x4d: {  	_ =	shalt  }
0x4e: {  	_ =	shalt  }
0x4f: {  	_ =	shalt  }
0x50: {  	_ =	shalt  }
0x51: {  	_ =	shalt  }
0x52: {  	_ =	shalt  }
0x53: {  	_ =	shalt  }
0x54: {  	_ =	shalt  }
0x55: {  	_ =	shalt  }
0x56: {  	_ =	shalt  }
0x57: {  	_ =	shalt  }
0x58: {  	_ =	shalt  }
0x59: {  	_ =	shalt  }
0x5a: {  	_ =	shalt  }
0x5b: {  	_ =	shalt  }
0x5c: {  	_ =	shalt  }
0x5d: {  	_ =	shalt  }
0x5e: {  	_ =	shalt  }
0x5f: {  	_ =	shalt  }
0x60: {  	_ =	shalt  }
0x61: {  	_ =	shalt  }
0x62: {  	_ =	shalt  }
0x63: {  	_ =	shalt  }
0x64: {  	_ =	shalt  }
0x65: {  	_ =	shalt  }
0x66: {  	_ =	shalt  }
0x67: {  	_ =	shalt  }
0x68: {  	_ =	shalt  }
0x69: {  	_ =	shalt  }
0x6a: {  	_ =	shalt  }
0x6b: {  	_ =	shalt  }
0x6c: {  	_ =	shalt  }
0x6d: {  	_ =	shalt  }
0x6e: {  	_ =	shalt  }
0x6f: {  	_ =	shalt  }
0x70: {  	_ =	shalt  }
0x71: {  	_ =	shalt  }
0x72: {  	_ =	shalt  }
0x73: {  	_ =	shalt  }
0x74: {  	_ =	shalt  }
0x75: {  	_ =	shalt  }
0x76: {  	_ =	shalt  }
0x77: {  	_ =	shalt  }
0x78: {  	_ =	shalt  }
0x79: {  	_ =	shalt  }
0x7a: {  	_ =	shalt  }
0x7b: {  	_ =	shalt  }
0x7c: {  	_ =	shalt  }
0x7d: {  	_ =	shalt  }
0x7e: {  	_ =	shalt  }
0x7f: {  	_ =	shalt  }
0x80: {  	_ =	shalt  }
0x81: {  	_ =	shalt  }
0x82: {  	_ =	shalt  }
0x83: {  	_ =	shalt  }
0x84: {  	_ =	shalt  }
0x85: {  	_ =	shalt  }
0x86: {  	_ =	shalt  }
0x87: {  	_ =	shalt  }
.Lfunc_end0:
.L_simem_size_0:
called_computation_lowered:
.L_overlay_start_0:
0x88: {  	s2 =	sld [smem:$0x3FD9]  }
0x89: {  	s3 =	sld [smem:$0x3FFE];
	_ =	sdelay $0x1  }
0x8a: {  	s1 =	srdreg.scid  }
0x8b: {  	s0 =	sand.u32 $0x1, s1  }
0x8c: {  	s17 =	sshll.u32 s0, $0xA;
	s2 =	sadd.s32 s3, s2  }
0x8d: {  	s2 =	sadd.s32 s2, s17  }
0x8e: {  	[smem:$0x3FC4] =	sst s2  }
0x8f: {  	_ = 	snop  }
0x90: {  	s2 =	sld [smem:$0x3FC9]  }
0x91: {  	s18 =	sld [smem:$0x3FC8];
	(tm) =	ssettm $0x1  }
0x92: {  	s4 =	sld [smem:$0x3FFB];
	_ =	sdelay $0x3  }
0x93: {  	_ =	strace s4  }
0x94: {  	s4 =	sld [smem:$0x3FFC];
	_ =	sdelay $0x3  }
0x95: {  	_ =	strace s4  }
0x96: {  	s4 =	sld [smem:$0x3FFD];
	_ =	sdelay $0x3  }
0x97: {  	_ =	strace s4  }
0x98: {  	_ =	strace $0x8FFFFFFF  }
0x99: {  	s19 =	sld [smem:$0x3FDB];
	_ =	sdelay $0x1  }
0x9a: {  	s5 =	simm.s32 $_scs_section_size  }
0x9b: {  	s6 =	simm.s32 $_size__tile_overlayer_lowered;
	s7 =	simm.s32 $_tile_overlayer_lowered  }
0x9c: {  	s22 =	simm.s32 $0x1BFF;
	s21 =	sshll.u32 s7, $0x1;
	s4 =	sadd.s32 s5, s19  }
0x9d: {  	s8 =	simm.s32 $0x0;
	s20 =	sshll.u32 s6, $0x1;
	s6 =	sadd.s32 s21, s4  }
0x9e: {  	[timem:s8], [sflag:s22] =	dma.local [hbm:s6], s20  }
0x9f: {  	_ =	swait.ge [sflag:s22], s20  }
0xa0: {  	s5 =	ssub.s32 $0x0, s20;
	[sflag:s22] =	ssyncset.done $0x0  }
0xa1: {  	[sflag:s22] =	ssyncadd.s32 s5;
	_ =	sdelay $0x1  }
0xa2: {  	s23 =	simm.s32 $0x1B8B  }
0xa3: {  	_ =	swait.ge [sflag:s23], $0x1  }
0xa4: {  	[sflag:s23] =	ssyncset.done $0x0  }
0xa5: {  	s25 =	simm.s32 $0x1B8E;
	s24 =	sld [smem:$0x3FFE];
	[sflag:s23] =	ssyncadd.s32 $0xFFFFFFFF  }
0xa6: {  	s26 =	simm.s32 $execute0_lowered;
	[smem:$0x3FD2] =	sst s25  }
0xa7: {  	s6 =	sshll.u32 s26, $0x1;
	_ =	strace $0x80000046;
	[dreg:$0x1] =	wrdreg $0xFFFFFFFF  }
0xa8: {  	s28 =	simm.s32 $_size_execute0_lowered;
	s4 =	sadd.s32 s4, s6;
	[dreg:$0x0] =	wrdreg $0x0  }
0xa9: {  	s6 =	sshll.u32 s28, $0x1;
	[dreg:$0x2] =	wrdreg s4  }
0xaa: {  	[dreg:$0x3] =	wrdreg s6  }
0xab: {  	[dreg:$0x4] =	wrdreg $0xC0  }
0xac: {  	_ =	task [dreg:s8], $0x5FFFF  }
0xad: {  	[dreg:$0x1] =	wrdreg $0xFFFFFFFF  }
0xae: {  	[dreg:$0x0] =	wrdreg $0x60  }
0xaf: {  	[dreg:$0x2] =	wrdreg s24  }
0xb0: {  	[dreg:$0x3] =	wrdreg s2  }
0xb1: {  	[dreg:$0x4] =	wrdreg s18  }
0xb2: {  	[dreg:$0x5] =	wrdreg $0x9  }
0xb3: {  	_ =	task.clear_ibuf [dreg:s8], $0x6FFFF;
	_ =	strace $0x90000046  }
0xb4: {  	s29 =	simm.s32 $0x9;
	_ =	strace $0x80000048  }
0xb5: {  	_ =	swait.ge [sflag:s29], $0x1  }
0xb6: {  	[sflag:s29] =	ssyncadd.s32 $0xFFFFFFFF  }
0xb7: {  	_ =	strace $0x90000048  }
0xb8: {  	_ =	sfence  }
0xb9: {  	s30 =	sld [smem:$0x0];
	_ =	sdelay $0x2  }
0xba: {  	s31 =	sshll.u32 s1, $0xD;
	s1 =	sshrl.u32 s1, $0x2  }
0xbb: {  	s3 =	sand.u32 $0x4000, s31;
	s1 =	sadd.s32 s1, s30  }
0xbc: {  	s0 =	sor.u32 s3, s0;
	s1 =	sshll.u32 s1, $0x11  }
0xbd: {  	s0 =	sor.u32 s1, s0  }
0xbe: {  	s0 =	sadd.s32 $0x8F2B, s0  }
0xbf: {  	[sflag:s0] =	ssyncadd.remote.s32 $0x1  }
0xc0: {  	_ =	sfence.sel $0xFFFF  }
0xc1: {  	[dreg:$0x0] =	wrdreg $0xFFFFFFFF;
	(pc) =	sbr.abs _section_cstart, $3  }
0xc2: {  	[dreg:$0x1] =	wrdreg $0xFFFFFFFF  }
0xc3: {  	_ =	task.clear_ibuf [dreg:s8], $0x2FFFF;
	_ =	strace $0x9FFFFFFF  }
0xc4: {  	(tm) =	ssettm $0x7FFFFFFF  }
0xc5: {  	_ =	shalt  }
tec
execute0_lowered:
.L_overlay_start_1:
0x0: {  	(tag) =	ssettag $0x1  }
0x1: {  	s14 =	rddreg [dreg:$0x0];
	s1 =	srdreg.scid  }
0x2: {  	s3 =	rddreg [dreg:$0x1];
	s0 =	stileid.u32;
	s15 =	sand.u32 $0x1, s1  }
0x3: {  	s5 =	rddreg [dreg:$0x2];
	s4 =	sshll.u32 s0, $0x8;
	s6 =	sshll.u32 s15, $0x7  }
0x4: {  	s2 =	simm.s32 $0x0;
	s1 =	rddreg [dreg:$0x3];
	s16 =	sor.u32 s6, s4  }
0x5: {  	[smem:$0x7FF] =	sst s2;
	s6 =	sshrl.u32 s16, $0x3  }
0x6: {  	_ =	strace $0x80000047;
	s4 =	sadd.s32 s3, s6;
	s3 =	simm.s32 $0x2  }
0x7: {  	[tilespmem:s2], [sflag:$0x2] =	stream.linear.gather [hbm4b:s4+s2], $0x80, $0x38;
	[tilespmem:$0x10100] =	vst v63  }
0x8: {  	_ =	swait.ge [sflag:s3], $0x80  }
0x9: {  	[sflag:s3] =	ssyncset.done $0x0  }
0xa: {  	s5 =	sadd.s32 s5, s6;
	s6 =	simm.s32 $0x80;
	[sflag:s3] =	ssyncadd.s32 $0xFFFFFF80  }
0xb: {  	[tilespmem:s6], [sflag:$0x2] =	stream.linear.gather [hbm4b:s5+s2], $0x80, $0x38;
	[tilespmem:$0x10100] =	vst v63  }
0xc: {  	_ =	swait.ge [sflag:s3], $0x80  }
0xd: {  	[sflag:s3] =	ssyncset.done $0x0  }
0xe: {  	[sflag:s3] =	ssyncadd.s32 $0xFFFFFF80  }
0xf: {  	v0 =	vld [tilespmem:$0xF0]  }
0x10: {  	v1 =	vld [tilespmem:$0xD0]  }
0x11: {  	v2 =	vld [tilespmem:$0x70]  }
0x12: {  	v3 =	vld [tilespmem:$0xE0]  }
0x13: {  	v4 =	vld [tilespmem:$0x60]  }
0x14: {  	v5 =	vld [tilespmem:$0x90];
	v0 =	vshrl.u32 v0, $0x1  }
0x15: {  	v6 =	vld [tilespmem:$0x50];
	v1 =	vshrl.u32 v1, $0x1;
	[tilespmem:$0xF0] =	vst v0  }
0x16: {  	v50 =	vld [tilespmem:$0x40];
	v49 =	vshrl.u32 v2, $0x1;
	[tilespmem:$0xD0] =	vst v1  }
0x17: {  	v53 =	vld [tilespmem:$0xA0];
	v3 =	vshrl.u32 v3, $0x1;
	[tilespmem:$0x70] =	vst v49  }
0x18: {  	v54 =	vld [tilespmem:$0x20];
	v4 =	vshrl.u32 v4, $0x1;
	[tilespmem:$0xE0] =	vst v3  }
0x19: {  	v56 =	vld [tilespmem:$0xB0];
	v52 =	vshrl.u32 v5, $0x1;
	[tilespmem:$0x60] =	vst v4  }
0x1a: {  	v57 =	vld [tilespmem:$0x10];
	v55 =	vshrl.u32 v6, $0x1;
	[tilespmem:$0x90] =	vst v52  }
0x1b: {  	v59 =	vld [tilespmem:$0x0];
	v2 =	vshrl.u32 v50, $0x1;
	[tilespmem:$0x50] =	vst v55  }
0x1c: {  	v48 =	vld [tilespmem:$0xC0];
	v5 =	vshrl.u32 v53, $0x1;
	[tilespmem:$0x40] =	vst v2  }
0x1d: {  	v51 =	vld [tilespmem:$0x30];
	v60 =	vshrl.u32 v54, $0x1;
	[tilespmem:$0xA0] =	vst v5  }
0x1e: {  	v58 =	vld [tilespmem:$0x80];
	v61 =	vshrl.u32 v56, $0x1;
	[tilespmem:$0x20] =	vst v60  }
0x1f: {  	v62 =	vshrl.u32 v57, $0x1;
	[tilespmem:$0xB0] =	vst v61  }
0x20: {  	v63 =	vshrl.u32 v59, $0x1;
	[tilespmem:$0x10] =	vst v62  }
0x21: {  	v0 =	vshrl.u32 v48, $0x1;
	[tilespmem:$0x0] =	vst v63  }
0x22: {  	v1 =	vshrl.u32 v51, $0x1;
	[tilespmem:$0xC0] =	vst v0  }
0x23: {  	[tilespmem:$0x30] =	vst v1;
	v0 =	vshrl.u32 v58, $0x1  }
0x24: {  	s9 =	simm.s32 $0x100;
	s11 =	sadd.s32 $0x189A00, s14;
	[tilespmem:$0x80] =	vst v0  }
0x25: {  	[tilespmem:s9], [sflag:$0x1] =	stream.indirect.gather [hbm4b:s11+s6], $0x80, s2, s6, $0xb8;
	[tilespmem:$0x10100] =	vst v63  }
0x26: {  	s10 =	simm.s32 $0x4100;
	s12 =	sadd.s32 $0x24D000, s14  }
0x27: {  	[tilespmem:s10], [sflag:$0x1] =	stream.indirect.gather [hbm4b:s12+s6], $0x80, s2, s6, $0xb8;
	[tilespmem:$0x10100] =	vst v63  }
0x28: {  	s8 =	simm.s32 $0x8100  }
0x29: {  	[tilespmem:s8], [sflag:$0x1] =	stream.indirect.gather [hbm4b:s11+s6], $0x80, s6, s6, $0xb8;
	[tilespmem:$0x10100] =	vst v63  }
0x2a: {  	s7 =	simm.s32 $0xC100;
	s13 =	simm.s32 $0x1  }
0x2b: {  	[tilespmem:s7], [sflag:$0x1] =	stream.indirect.gather [hbm4b:s12+s6], $0x80, s6, s6, $0xb8;
	[tilespmem:$0x10100] =	vst v63  }
0x2c: {  	_ =	swait.ge [sflag:s13], $0x4000  }
0x2d: {  	[sflag:s13] =	ssyncset.done $0x0  }
0x2e: {  	s15 =	ssub.s32 $0x2, s15;
	[sflag:s13] =	ssyncadd.s32 $0xFFFFC000  }
0x2f: {  	s31 =	sshrl.u32 s15, $0x1;
	_ =	swait.ge [sflag:s13], $0x4000  }
0x30: {  	s15 =	ssub.s32 s15, s31;
	[sflag:s13] =	ssyncset.done $0x0  }
0x31: {  	s18 =	smax.u32 s15, $0x1;
	[sflag:s13] =	ssyncadd.s32 $0xFFFFC000  }
0x32: {  	p0 =	sne.s32 s18, $0x1;
	_ =	swait.ge [sflag:s13], $0x4000  }
.Ltmp0:
0x33: {  	s16 =	sshll.u32 s16, $0x4;
	[sflag:s13] =	ssyncset.done $0x0;
	(pc) =	sbr.rel @!p0 .LBB2_2-.Ltmp0, $4  }
0x34: {  	s14 =	sadd.s32 s16, s14;
	[sflag:s13] =	ssyncadd.s32 $0xFFFFC000  }
0x35: {  	s17 =	sadd.s32 $0x3000, s14;
	_ =	swait.ge [sflag:s13], $0x4000  }
0x36: {  	s16 =	sadd.s32 $0x13000, s14;
	s15 =	sadd.s32 $0x23000, s14;
	[sflag:s13] =	ssyncset.done $0x0  }
0x37: {  	s14 =	sadd.s32 $0x33000, s14;
	s18 =	sadd.s32 $0xFFFFFFFF, s18;
	[sflag:s13] =	ssyncadd.s32 $0xFFFFC000  }
.LBB2_1:
0x38: {  	[hbm4b:s17+s2] =	stream.linear.scatter [tilespmem:s9], [sflag:$0x2], $0x4000, $0x38;
	[tilespmem:$0x10100] =	vst v63  }
0x39: {  	p0 =	sne.s32 s18, $0x1;
	s18 =	sadd.s32 $0xFFFFFFFF, s18;
	_ =	swait.ge [sflag:s3], $0x4000  }
0x3a: {  	[sflag:s3] =	ssyncset.done $0x0  }
0x3b: {  	[sflag:s3] =	ssyncadd.s32 $0xFFFFC000  }
0x3c: {  	[hbm4b:s16+s2] =	stream.linear.scatter [tilespmem:s10], [sflag:$0x2], $0x4000, $0x38;
	[tilespmem:$0x10100] =	vst v63  }
0x3d: {  	_ =	swait.ge [sflag:s3], $0x4000  }
0x3e: {  	[sflag:s3] =	ssyncset.done $0x0  }
0x3f: {  	[sflag:s3] =	ssyncadd.s32 $0xFFFFC000  }
0x40: {  	[hbm4b:s15+s2] =	stream.linear.scatter [tilespmem:s8], [sflag:$0x2], $0x4000, $0x38;
	[tilespmem:$0x10100] =	vst v63  }
0x41: {  	_ =	swait.ge [sflag:s3], $0x4000  }
0x42: {  	[sflag:s3] =	ssyncset.done $0x0  }
0x43: {  	[sflag:s3] =	ssyncadd.s32 $0xFFFFC000  }
0x44: {  	[hbm4b:s14+s2] =	stream.linear.scatter [tilespmem:s7], [sflag:$0x2], $0x4000, $0x38;
	[tilespmem:$0x10100] =	vst v63  }
0x45: {  	_ =	swait.ge [sflag:s3], $0x4000  }
0x46: {  	[sflag:s3] =	ssyncset.done $0x0  }
0x47: {  	[sflag:s3] =	ssyncadd.s32 $0xFFFFC000  }
0x48: {  	[tilespmem:s2], [sflag:$0x2] =	stream.linear.gather [hbm4b:s4+s2], $0x80, $0x38;
	[tilespmem:$0x10100] =	vst v63  }
0x49: {  	_ =	swait.ge [sflag:s3], $0x80  }
0x4a: {  	[sflag:s3] =	ssyncset.done $0x0  }
0x4b: {  	[sflag:s3] =	ssyncadd.s32 $0xFFFFFF80  }
0x4c: {  	[tilespmem:s6], [sflag:$0x2] =	stream.linear.gather [hbm4b:s5+s2], $0x80, $0x38;
	[tilespmem:$0x10100] =	vst v63  }
0x4d: {  	_ =	swait.ge [sflag:s3], $0x80  }
0x4e: {  	[sflag:s3] =	ssyncset.done $0x0  }
0x4f: {  	[sflag:s3] =	ssyncadd.s32 $0xFFFFFF80  }
0x50: {  	v0 =	vld [tilespmem:$0xF0]  }
0x51: {  	v1 =	vld [tilespmem:$0xD0]  }
0x52: {  	v2 =	vld [tilespmem:$0x70]  }
0x53: {  	v3 =	vld [tilespmem:$0xE0]  }
0x54: {  	v4 =	vld [tilespmem:$0x60]  }
0x55: {  	v5 =	vld [tilespmem:$0x90];
	v0 =	vshrl.u32 v0, $0x1  }
0x56: {  	v6 =	vld [tilespmem:$0x50];
	v1 =	vshrl.u32 v1, $0x1;
	[tilespmem:$0xF0] =	vst v0  }
0x57: {  	v0 =	vld [tilespmem:$0xC0];
	[tilespmem:$0xD0] =	vst v1;
	v1 =	vshrl.u32 v2, $0x1  }
0x58: {  	v2 =	vld [tilespmem:$0x40];
	v3 =	vshrl.u32 v3, $0x1;
	[tilespmem:$0x70] =	vst v1  }
0x59: {  	v1 =	vld [tilespmem:$0x30];
	v4 =	vshrl.u32 v4, $0x1;
	[tilespmem:$0xE0] =	vst v3  }
0x5a: {  	v3 =	vshrl.u32 v5, $0x1;
	v5 =	vld [tilespmem:$0xA0];
	[tilespmem:$0x60] =	vst v4  }
0x5b: {  	[tilespmem:$0x90] =	vst v3;
	v3 =	vld [tilespmem:$0x20];
	v4 =	vshrl.u32 v6, $0x1  }
0x5c: {  	v6 =	vld [tilespmem:$0xB0];
	v0 =	vshrl.u32 v0, $0x1;
	[tilespmem:$0x50] =	vst v4  }
0x5d: {  	v4 =	vld [tilespmem:$0x10];
	v2 =	vshrl.u32 v2, $0x1;
	[tilespmem:$0xC0] =	vst v0  }
0x5e: {  	v0 =	vld [tilespmem:$0x80];
	v1 =	vshrl.u32 v1, $0x1;
	[tilespmem:$0x40] =	vst v2  }
0x5f: {  	v2 =	vld [tilespmem:$0x0];
	v5 =	vshrl.u32 v5, $0x1;
	[tilespmem:$0x30] =	vst v1  }
0x60: {  	v1 =	vshrl.u32 v3, $0x1;
	[tilespmem:$0xA0] =	vst v5  }
0x61: {  	[tilespmem:$0x20] =	vst v1;
	v1 =	vshrl.u32 v6, $0x1  }
0x62: {  	v3 =	vshrl.u32 v4, $0x1;
	[tilespmem:$0xB0] =	vst v1  }
0x63: {  	v0 =	vshrl.u32 v0, $0x1;
	[tilespmem:$0x10] =	vst v3  }
0x64: {  	v1 =	vshrl.u32 v2, $0x1;
	[tilespmem:$0x80] =	vst v0  }
0x65: {  	[tilespmem:$0x0] =	vst v1  }
0x66: {  	[tilespmem:s9], [sflag:$0x1] =	stream.indirect.gather [hbm4b:s11+s6], $0x80, s2, s6, $0xb8;
	[tilespmem:$0x10100] =	vst v63  }
0x67: {  	_ = 	snop  }
0x68: {  	[tilespmem:s10], [sflag:$0x1] =	stream.indirect.gather [hbm4b:s12+s6], $0x80, s2, s6, $0xb8;
	[tilespmem:$0x10100] =	vst v63  }
0x69: {  	_ = 	snop  }
0x6a: {  	[tilespmem:s8], [sflag:$0x1] =	stream.indirect.gather [hbm4b:s11+s6], $0x80, s6, s6, $0xb8;
	[tilespmem:$0x10100] =	vst v63  }
0x6b: {  	_ = 	snop  }
0x6c: {  	[tilespmem:s7], [sflag:$0x1] =	stream.indirect.gather [hbm4b:s12+s6], $0x80, s6, s6, $0xb8;
	[tilespmem:$0x10100] =	vst v63  }
0x6d: {  	_ =	swait.ge [sflag:s13], $0x4000  }
0x6e: {  	[sflag:s13] =	ssyncset.done $0x0  }
0x6f: {  	[sflag:s13] =	ssyncadd.s32 $0xFFFFC000  }
0x70: {  	_ =	swait.ge [sflag:s13], $0x4000  }
0x71: {  	[sflag:s13] =	ssyncset.done $0x0  }
0x72: {  	[sflag:s13] =	ssyncadd.s32 $0xFFFFC000  }
0x73: {  	_ =	swait.ge [sflag:s13], $0x4000  }
.Ltmp1:
0x74: {  	[sflag:s13] =	ssyncset.done $0x0;
	(pc) =	sbr.rel @p0 .LBB2_1-.Ltmp1, $4  }
0x75: {  	[sflag:s13] =	ssyncadd.s32 $0xFFFFC000  }
0x76: {  	_ =	swait.ge [sflag:s13], $0x4000  }
0x77: {  	[sflag:s13] =	ssyncset.done $0x0  }
0x78: {  	[sflag:s13] =	ssyncadd.s32 $0xFFFFC000  }
.LBB2_2:
0x79: {  	[hbm4b:s17+s2] =	stream.linear.scatter [tilespmem:s9], [sflag:$0x2], $0x4000, $0x38;
	[tilespmem:$0x10100] =	vst v63  }
0x7a: {  	_ =	swait.ge [sflag:s3], $0x4000  }
0x7b: {  	[sflag:s3] =	ssyncset.done $0x0  }
0x7c: {  	[sflag:s3] =	ssyncadd.s32 $0xFFFFC000  }
0x7d: {  	[hbm4b:s16+s2] =	stream.linear.scatter [tilespmem:s10], [sflag:$0x2], $0x4000, $0x38;
	[tilespmem:$0x10100] =	vst v63  }
0x7e: {  	_ =	swait.ge [sflag:s3], $0x4000  }
0x7f: {  	[sflag:s3] =	ssyncset.done $0x0  }
0x80: {  	[sflag:s3] =	ssyncadd.s32 $0xFFFFC000  }
0x81: {  	[hbm4b:s15+s2] =	stream.linear.scatter [tilespmem:s8], [sflag:$0x2], $0x4000, $0x38;
	[tilespmem:$0x10100] =	vst v63  }
0x82: {  	_ =	swait.ge [sflag:s3], $0x4000  }
0x83: {  	[sflag:s3] =	ssyncset.done $0x0  }
0x84: {  	[sflag:s3] =	ssyncadd.s32 $0xFFFFC000  }
0x85: {  	[hbm4b:s14+s2] =	stream.linear.scatter [tilespmem:s7], [sflag:$0x2], $0x4000, $0x38;
	[tilespmem:$0x10100] =	vst v63  }
0x86: {  	_ =	swait.ge [sflag:s3], $0x4000  }
0x87: {  	[sflag:s3] =	ssyncset.done $0x0  }
0x88: {  	[sflag:s3] =	ssyncadd.s32 $0xFFFFC000  }
0x89: {  	_ =	sfence.sel $0x180000  }
0x8a: {  	[bflag:$0x0] =	sbarrier.arrive $0xFFFF  }
0x8b: {  	p0 =	sne.s32 s0, $0x0;
	_ =	strace $0x90000047  }
0x8c: {  	s0 =	sadd.s32 @!p0 $0x100000, s1;
	[bflag:$0x2] =	sbarrier.arrive $0xFFFF  }
0x8d: {  	[sflag:s0] =	ssyncadd.tile.s32 @!p0 $0x1;
	_ =	shalt  }
.Lfunc_end2:
_tile_overlayer_lowered:
.L_overlay_start_2:
0x8e: {  	(tag) =	ssettag $0x2  }
0x8f: {  	s0 =	rddreg [dreg:$0x0];
	s2 =	stileid.u32  }
0x90: {  	s1 =	rddreg [dreg:$0x1];
	p0 =	sne.s32 s2, $0x0  }
0x91: {  	s3 =	rddreg [dreg:$0x2];
	[bflag:$0x3] =	sbarrier.arrive $0xFFFF;
	s2 =	simm.s32 @!p0 $0x1C02  }
0x92: {  	[timem:s3], [sflag:s2] =	dma.local @!p0 [hbm:s0], s1  }
0x93: {  	s0 =	simm.s32 @!p0 $0x2  }
0x94: {  	_ =	swait.ge @!p0 [sflag:s0], s1  }
0x95: {  	s1 =	ssub.s32 @!p0 $0x0, s1;
	[sflag:s0] =	ssyncset.done @!p0 $0x0  }
0x96: {  	[sflag:s0] =	ssyncadd.s32 @!p0 s1  }
0x97: {  	[bflag:$0x3] =	sbarrier.arrive $0xFFFF  }
0x98: {  	_ =	shalt  }

</sc_bundles>
